<compile_context>
chip_gen: v7x
topology: tpu7x:2x2x1
jax: 0.10.2.dev20260603
libtpu: 0.0.44.dev20260713+nightly
codegen_flags: <defaults>
</compile_context>

<pallas_src>
import jax
import jax.numpy as jnp
from jax.experimental import pallas as pl
from jax.experimental.pallas import tpu as pltpu

_R = 100
_C = 1000
_S = 1000
_NE = 1600000
_EB = 6400


def _shift_right_flat(x):
    lastcol = x[:, _C - 1:_C]
    rolled = jnp.concatenate([lastcol[_R - 1:_R], lastcol[:_R - 1]], axis=0)
    return jnp.concatenate([rolled, x[:, :_C - 1]], axis=1)


def _shift_left_flat(x):
    firstcol = x[:, 0:1]
    rolled = jnp.concatenate([firstcol[1:], firstcol[0:1]], axis=0)
    return jnp.concatenate([x[:, 1:], rolled], axis=1)


def _node_kernel(bx_ref, px_ref, py_ref, pz_ref,
                 tn_ref, cd_ref, cm_ref, dn_ref, cx_ref,
                 opx_ref, opy_ref, opz_ref, odx_ref, ody_ref, odz_ref,
                 seg_ref,
                 fp_s, g1_s, g2_s, mx_s):
    f32 = jnp.float32
    Bv = bx_ref[...]
    Pxv = px_ref[...]
    Pyv = py_ref[...]
    Pzv = pz_ref[...]

    prevB = _shift_right_flat(Bv)
    nextB = _shift_left_flat(Bv)
    fp2 = (Bv != prevB).astype(f32)
    lp2 = (Bv != nextB).astype(f32)
    fp_s[...] = fp2

    keep = 1.0 - lp2
    dx0 = (_shift_left_flat(Pxv) - Pxv) * keep
    dy0 = (_shift_left_flat(Pyv) - Pyv) * keep
    dz0 = (_shift_left_flat(Pzv) - Pzv) * keep
    odx_ref[...] = dx0
    ody_ref[...] = dy0
    odz_ref[...] = dz0

    sub_i = jax.lax.broadcasted_iota(jnp.int32, (_S, _S), 0)
    lane_i = jax.lax.broadcasted_iota(jnp.int32, (_S, _S), 1)
    Tincl = (sub_i <= lane_i).astype(f32)
    Tstrict = (sub_i < lane_i).astype(f32)
    iota_row = jax.lax.broadcasted_iota(jnp.int32, (1, _S), 1)
    iota_col = jax.lax.broadcasted_iota(jnp.int32, (_S, 1), 0)

    B00 = Bv[0:1, 0:1]
    fp0f = (Bv[0:1, 0:1] != Bv[_R - 1:_R, _C - 1:_C]).astype(f32)

    def loop1(r, acc):
        brow = bx_ref[pl.ds(r, 1), :]
        oh_sn = (iota_col == brow).astype(f32)
        oh_ns = oh_sn.T
        pxr = px_ref[pl.ds(r, 1), :]
        pyr = py_ref[pl.ds(r, 1), :]
        pzr = pz_ref[pl.ds(r, 1), :]
        dxr = odx_ref[pl.ds(r, 1), :]
        dyr = ody_ref[pl.ds(r, 1), :]
        dzr = odz_ref[pl.ds(r, 1), :]
        ones = jnp.ones((1, _C), f32)
        M = jnp.concatenate(
            [ones, pxr, pyr, pzr, pxr * pxr, pyr * pyr, pzr * pzr,
             dxr, dyr, dzr, jnp.zeros((6, _C), f32)], axis=0)
        return acc + jnp.dot(M, oh_ns, preferred_element_type=f32, precision=jax.lax.Precision.HIGHEST)

    segA = jax.lax.fori_loop(0, _R, loop1, jnp.zeros((16, _S), f32))

    L = segA[0:1]
    cnt = jnp.maximum(L, 1.0)
    mP = segA[1:4] / cnt
    mP2 = segA[4:7] / cnt
    var = jnp.maximum(mP2 - mP * mP, 0.0)
    pstd = jnp.sqrt(jnp.sum(var, axis=0, keepdims=True))
    um = segA[7:10] / cnt
    un = um / jnp.sqrt(1e-05 + jnp.sum(um * um, axis=0, keepdims=True))
    start = jnp.dot(L, Tstrict, preferred_element_type=f32, precision=jax.lax.Precision.HIGHEST)
    logL = jnp.log(L)
    seg_ref[...] = jnp.concatenate(
        [pstd, logL, un, jnp.zeros((3, _S), f32)], axis=0)

    vals1 = jnp.concatenate([L, start, pstd], axis=0)

    def loop2(r, acc):
        brow = bx_ref[pl.ds(r, 1), :]
        oh_sn = (iota_col == brow).astype(f32)
        oh_ns = oh_sn.T
        bc = jnp.dot(vals1, oh_sn, preferred_element_type=f32, precision=jax.lax.Precision.HIGHEST)
        Lr = bc[0:1]
        startr = bc[1:2]
        sr = bc[2:3]
        pxr = px_ref[pl.ds(r, 1), :] / sr
        pyr = py_ref[pl.ds(r, 1), :] / sr
        pzr = pz_ref[pl.ds(r, 1), :] / sr
        opx_ref[pl.ds(r, 1), :] = pxr
        opy_ref[pl.ds(r, 1), :] = pyr
        opz_ref[pl.ds(r, 1), :] = pzr
        dxr = odx_ref[pl.ds(r, 1), :] / sr
        dyr = ody_ref[pl.ds(r, 1), :] / sr
        dzr = odz_ref[pl.ds(r, 1), :] / sr
        odx_ref[pl.ds(r, 1), :] = dxr
        ody_ref[pl.ds(r, 1), :] = dyr
        odz_ref[pl.ds(r, 1), :] = dzr
        dnr = jnp.sqrt(1e-05 + dxr * dxr + dyr * dyr + dzr * dzr)
        dn_ref[pl.ds(r, 1), :] = dnr
        fpr = fp_s[pl.ds(r, 1), :]
        M = jnp.concatenate(
            [dnr, dnr * dnr, dnr * fpr, jnp.zeros((5, _C), f32)], axis=0)
        lanef = jax.lax.broadcasted_iota(jnp.int32, (1, _C), 1).astype(f32)
        corrr = (1.0 - fp0f) * (brow == B00).astype(f32)
        tr = (r.astype(f32) * _C + lanef + 1.0) - startr - corrr
        tn_ref[pl.ds(r, 1), :] = tr / Lr
        return acc + jnp.dot(M, oh_ns, preferred_element_type=f32, precision=jax.lax.Precision.HIGHEST)

    segB = jax.lax.fori_loop(0, _R, loop2, jnp.zeros((8, _S), f32))

    sdn = segB[0:1]
    sdn2 = segB[1:2]
    fvm = segB[2:3]
    prev1 = jnp.dot(sdn, Tstrict, preferred_element_type=f32, precision=jax.lax.Precision.HIGHEST)
    prev2 = jnp.dot(sdn2, Tstrict, preferred_element_type=f32, precision=jax.lax.Precision.HIGHEST)
    vals2 = jnp.concatenate([prev1, prev2, fvm], axis=0)

    dnfull = dn_ref[...]
    r_i = jax.lax.broadcasted_iota(jnp.int32, (_R, _R), 0)
    r_j = jax.lax.broadcasted_iota(jnp.int32, (_R, _R), 1)
    Lstrict = (r_j < r_i).astype(f32)

    def cumsum2d(x):
        y = jnp.dot(x, Tincl, preferred_element_type=f32, precision=jax.lax.Precision.HIGHEST)
        offs = jnp.dot(Lstrict, y[:, _C - 1:_C], preferred_element_type=f32, precision=jax.lax.Precision.HIGHEST)
        return y + offs

    g1_s[...] = cumsum2d(dnfull)
    g2_s[...] = cumsum2d(dnfull * dnfull)

    y = dnfull
    for sft in (1, 2, 4, 8, 16, 32, 64, 128, 256, 512):
        y = jnp.maximum(
            y, jnp.concatenate(
                [jnp.zeros((_R, sft), f32), y[:, :_C - sft]], axis=1))
    z = y[:, _C - 1:_C]
    for sft in (1, 2, 4, 8, 16, 32, 64):
        z = jnp.maximum(
            z, jnp.concatenate(
                [jnp.zeros((sft, 1), f32), z[:_R - sft]], axis=0))
    excl = jnp.concatenate([jnp.zeros((1, 1), f32), z[:_R - 1]], axis=0)
    mx_s[...] = jnp.maximum(y, excl)

    dn00 = dnfull[0:1, 0:1]

    def loop3(r, acc):
        brow = bx_ref[pl.ds(r, 1), :]
        oh_sn = (iota_col == brow).astype(f32)
        bc = jnp.dot(vals2, oh_sn, preferred_element_type=f32, precision=jax.lax.Precision.HIGHEST)
        corrm = (1.0 - fp0f) * (brow == B00).astype(f32)
        g1r = g1_s[pl.ds(r, 1), :]
        g2r = g2_s[pl.ds(r, 1), :]
        mxr = mx_s[pl.ds(r, 1), :]
        cd_ref[pl.ds(r, 1), :] = g1r - bc[0:1] - corrm * dn00
        cm_ref[pl.ds(r, 1), :] = g2r - bc[1:2] - corrm * (dn00 * dn00)
        cx_ref[pl.ds(r, 1), :] = mxr + bc[2:3]
        return acc

    jax.lax.fori_loop(0, _R, loop3, jnp.int32(0))


def _edge_kernel(gr_ref, gc_ref, out_ref):
    gr = gr_ref[...]
    gc = gc_ref[...]
    dt = gr[0:1] - gc[0:1]
    dv = gr[1:4] - gc[1:4]
    d = jnp.sqrt(jnp.sum(dv * dv, axis=0, keepdims=True))
    corr = jnp.sum(gr[4:7] * gc[4:7], axis=0, keepdims=True)
    dcd = gr[7:8] - gc[7:8]
    dcm = gr[8:9] - gc[8:9]
    out_ref[...] = jnp.concatenate(
        [dt, d, corr, jnp.sign(dcd), jnp.abs(dcd),
         jnp.sign(dcm), jnp.abs(dcm), jnp.zeros_like(dt)], axis=0)


def kernel(P, B, row, col):
    f32 = jnp.float32
    Bi = B.astype(jnp.int32)
    B2 = Bi.reshape(_R, _C)
    Px = P[:, 0].reshape(_R, _C).astype(f32)
    Py = P[:, 1].reshape(_R, _C).astype(f32)
    Pz = P[:, 2].reshape(_R, _C).astype(f32)

    shp = jax.ShapeDtypeStruct((_R, _C), f32)
    outs = pl.pallas_call(
        _node_kernel,
        out_shape=(shp, shp, shp, shp, shp, shp, shp, shp, shp, shp, shp,
                   jax.ShapeDtypeStruct((8, _S), f32)),
        scratch_shapes=[pltpu.VMEM((_R, _C), f32)] * 4,
    )(B2, Px, Py, Pz)
    tn, cd, cm, dn, cx, px, py, pz, dx, dy, dz, seg = outs

    X = jnp.stack([tn, cd, cm, dn, cx], axis=0).reshape(5, _R * _C).T

    tableT = jnp.concatenate(
        [tn.reshape(1, -1), px.reshape(1, -1), py.reshape(1, -1),
         pz.reshape(1, -1), dx.reshape(1, -1), dy.reshape(1, -1),
         dz.reshape(1, -1), cd.reshape(1, -1), cm.reshape(1, -1),
         jnp.zeros((7, _R * _C), f32)], axis=0)
    Gr = jnp.take(tableT, row.astype(jnp.int32), axis=1)
    Gc = jnp.take(tableT, col.astype(jnp.int32), axis=1)

    E8 = pl.pallas_call(
        _edge_kernel,
        grid=(_NE // _EB,),
        in_specs=[pl.BlockSpec((16, _EB), lambda i: (0, i)),
                  pl.BlockSpec((16, _EB), lambda i: (0, i))],
        out_specs=pl.BlockSpec((8, _EB), lambda i: (0, i)),
        out_shape=jax.ShapeDtypeStruct((8, _NE), f32),
    )(Gr, Gc)
    E = E8[:7].T

    P_STD = seg[0]
    log_L = seg[1]
    u = seg[2:5].T
    return (X, E, P_STD, log_L, u)

# --- scband reference (transcript-rebuilt; emitter-appended) ---
"""Pipeline reference for scband-trajs-features-83880711291351 (READ-ONLY COPY).

The authoritative reference and input builder live on the scoring server;
editing this copy changes nothing except your own understanding.
"""

import jax, jax.numpy as jnp
import numpy as np

N = 100000
NUM_EDGES = 1600000
NUM_SEG = 1000


def is_first_point(B):
    return jnp.abs(B - jnp.roll(B, 1)) > 0


def is_last_point(B):
    return jnp.abs(B - jnp.roll(B, -1)) > 0


def seg_sum(x, B):
    return jax.ops.segment_sum(x, B, num_segments=NUM_SEG)


def seg_min(x, B):
    return jax.ops.segment_min(x, B, num_segments=NUM_SEG)


def seg_mean(x, B):
    s = jax.ops.segment_sum(x, B, num_segments=NUM_SEG)
    c = jax.ops.segment_sum(jnp.ones((x.shape[0],), jnp.float32), B, num_segments=NUM_SEG)
    c = c.reshape((NUM_SEG,) + (1,) * (x.ndim - 1))
    return s / jnp.maximum(c, 1.0)


def scatter_std(X, B):
    avg_X_2 = seg_mean(X ** 2, B)
    avg_X = seg_mean(X, B)
    var = avg_X_2 - avg_X ** 2
    return jnp.sqrt(jnp.maximum(var, 0.0))


def cumsum_per_graph(X, B):
    cs = jnp.cumsum(X, axis=0)
    min_per_b = seg_min(cs, B)
    fp = is_first_point(B).astype(X.dtype)
    fv = seg_sum(X * fp, B)
    cs = cs - jnp.take(min_per_b, B, axis=0)
    cs = cs + jnp.take(fv, B, axis=0)
    return cs


def cummax_per_graph(X, B):
    cm = jax.lax.cummax(X, axis=0)
    min_per_b = seg_min(cm, B)  # computed then discarded, as in the original
    fp = is_first_point(B).astype(X.dtype)
    fv = seg_sum(X * fp, B)
    out = cm - jnp.take(min_per_b, B, axis=0)
    out = cm + jnp.take(fv, B, axis=0)
    return out


def diff_per_graph(X, B):
    d = jnp.roll(X, -1, axis=0) - X
    lp = is_last_point(B)
    mask = jnp.stack([lp for _ in range(X.shape[1])], axis=1)
    return jnp.where(mask, 0.0, d)


def forward(P, B, row, col):
    # get_scales with scale_types=['pos_std']
    P_STD = jnp.sqrt(jnp.sum(scatter_std(P, B) ** 2, axis=1))
    time = cumsum_per_graph(jnp.ones_like(B), B)
    L = seg_sum(jnp.ones_like(B), B)
    time_norm = time / jnp.take(L, B)
    node_features = [time_norm.reshape(-1, 1).astype(jnp.float32)]
    edge_features = [(time_norm[row] - time_norm[col]).reshape(-1, 1).astype(jnp.float32)]
    dr = diff_per_graph(P, B)
    s = P_STD
    scale_factor = jnp.take(s, B).reshape(-1, 1)
    dr_ = dr / scale_factor
    p = P / scale_factor
    dr_norm = jnp.sqrt(1e-05 + jnp.sum(dr_ ** 2, axis=1))
    cum_dist = cumsum_per_graph(dr_norm, B).reshape(-1, 1)
    cum_msd = cumsum_per_graph(dr_norm ** 2, B).reshape(-1, 1)
    node_features.append(cum_dist)
    node_features.append(cum_msd)
    node_features.append(dr_norm.reshape(-1, 1))
    node_features.append(cummax_per_graph(dr_norm, B).reshape(-1, 1))
    end = p[row]
    start = p[col]
    d = jnp.sqrt(jnp.sum((end - start) ** 2, axis=1))
    end_jump = dr_[row]
    start_jump = dr_[col]
    corr = jnp.sum(end_jump * start_jump, axis=1)
    edge_features.append(d.reshape(-1, 1))
    edge_features.append(corr.reshape(-1, 1))
    edge_features.append(jnp.sign(cum_dist[row] - cum_dist[col]))
    edge_features.append(jnp.abs(cum_dist[row] - cum_dist[col]))
    edge_features.append(jnp.sign(cum_msd[row] - cum_msd[col]))
    edge_features.append(jnp.abs(cum_msd[row] - cum_msd[col]))
    X = jnp.concatenate(node_features, axis=1)
    E = jnp.concatenate(edge_features, axis=1)
    u = seg_mean(dr, B)
    u = u / jnp.sqrt(1e-05 + jnp.sum(u ** 2, axis=1).reshape(-1, 1))
    log_L = jnp.log(L.astype(jnp.float32))
    return (X, E, P_STD, log_L, u)


def setup_inputs(seed: int = 0) -> dict:
    key = jax.random.key(seed)
    k1, k2, k3, k4 = jax.random.split(key, 4)
    P = jax.random.normal(k1, (N, 3), dtype=jnp.float32)
    B = jnp.sort(jax.random.randint(k2, (N,), 0, NUM_SEG))
    row = jax.random.randint(k3, (NUM_EDGES,), 0, N)
    col = jax.random.randint(k4, (NUM_EDGES,), 0, N)
    return {"P": P, "B": B, "row": row, "col": col}


def reference(P, B, row, col):
    return forward(P, B, row, col)

if __name__ == "__main__":
    import jax
    _d = setup_inputs()
    print(jax.jit(kernel)(*tuple(_d.values())))

</pallas_src>

<mosaic_0001>
module attributes {stable_mosaic.version = 14 : i64} {
  func.func @_node_kernel(%arg0: memref<100x1000xi32, #tpu.memory_space<vmem>>, %arg1: memref<100x1000xf32, #tpu.memory_space<vmem>>, %arg2: memref<100x1000xf32, #tpu.memory_space<vmem>>, %arg3: memref<100x1000xf32, #tpu.memory_space<vmem>>, %arg4: memref<100x1000xf32, #tpu.memory_space<vmem>>, %arg5: memref<100x1000xf32, #tpu.memory_space<vmem>>, %arg6: memref<100x1000xf32, #tpu.memory_space<vmem>>, %arg7: memref<100x1000xf32, #tpu.memory_space<vmem>>, %arg8: memref<100x1000xf32, #tpu.memory_space<vmem>>, %arg9: memref<100x1000xf32, #tpu.memory_space<vmem>>, %arg10: memref<100x1000xf32, #tpu.memory_space<vmem>>, %arg11: memref<100x1000xf32, #tpu.memory_space<vmem>>, %arg12: memref<100x1000xf32, #tpu.memory_space<vmem>>, %arg13: memref<100x1000xf32, #tpu.memory_space<vmem>>, %arg14: memref<100x1000xf32, #tpu.memory_space<vmem>>, %arg15: memref<8x1000xf32, #tpu.memory_space<vmem>>, %arg16: memref<100x1000xf32, #tpu.memory_space<vmem>>, %arg17: memref<100x1000xf32, #tpu.memory_space<vmem>>, %arg18: memref<100x1000xf32, #tpu.memory_space<vmem>>, %arg19: memref<100x1000xf32, #tpu.memory_space<vmem>>) attributes {dimension_semantics = [], scalar_prefetch = 0 : i64, scratch_operands = 4 : i64, tpu.core_type = #tpu.core_type<tc>} {
    %get3A = arith.constant 0 : index
    %get3A_0 = arith.constant 0 : index
    %get3A_1 = vector.load %arg0[%get3A, %get3A_0] : memref<100x1000xi32, #tpu.memory_space<vmem>>, vector<100x1000xi32>
    %get3A_2 = arith.constant 0 : index
    %get3A_3 = arith.constant 0 : index
    %get3A_4 = vector.load %arg1[%get3A_2, %get3A_3] : memref<100x1000xf32, #tpu.memory_space<vmem>>, vector<100x1000xf32>
    %get3A_5 = arith.constant 0 : index
    %get3A_6 = arith.constant 0 : index
    %get3A_7 = vector.load %arg2[%get3A_5, %get3A_6] : memref<100x1000xf32, #tpu.memory_space<vmem>>, vector<100x1000xf32>
    %get3A_8 = arith.constant 0 : index
    %get3A_9 = arith.constant 0 : index
    %get3A_10 = vector.load %arg3[%get3A_8, %get3A_9] : memref<100x1000xf32, #tpu.memory_space<vmem>>, vector<100x1000xf32>
    %slice3A = vector.extract_strided_slice %get3A_1 {offsets = [0, 999], sizes = [100, 1], strides = [1, 1]} : vector<100x1000xi32> to vector<100x1xi32>
    %slice3A_11 = vector.extract_strided_slice %slice3A {offsets = [99, 0], sizes = [1, 1], strides = [1, 1]} : vector<100x1xi32> to vector<1x1xi32>
    %slice3A_12 = vector.extract_strided_slice %slice3A {offsets = [0, 0], sizes = [99, 1], strides = [1, 1]} : vector<100x1xi32> to vector<99x1xi32>
    %concatenate3A = tpu.concatenate %slice3A_11, %slice3A_12 in 0 : vector<1x1xi32>, vector<99x1xi32> -> vector<100x1xi32>
    %slice3A_13 = vector.extract_strided_slice %get3A_1 {offsets = [0, 0], sizes = [100, 999], strides = [1, 1]} : vector<100x1000xi32> to vector<100x999xi32>
    %concatenate3A_14 = tpu.concatenate %concatenate3A, %slice3A_13 in 1 : vector<100x1xi32>, vector<100x999xi32> -> vector<100x1000xi32>
    %slice3A_15 = vector.extract_strided_slice %get3A_1 {offsets = [0, 0], sizes = [100, 1], strides = [1, 1]} : vector<100x1000xi32> to vector<100x1xi32>
    %slice3A_16 = vector.extract_strided_slice %slice3A_15 {offsets = [1, 0], sizes = [99, 1], strides = [1, 1]} : vector<100x1xi32> to vector<99x1xi32>
    %slice3A_17 = vector.extract_strided_slice %slice3A_15 {offsets = [0, 0], sizes = [1, 1], strides = [1, 1]} : vector<100x1xi32> to vector<1x1xi32>
    %concatenate3A_18 = tpu.concatenate %slice3A_16, %slice3A_17 in 0 : vector<99x1xi32>, vector<1x1xi32> -> vector<100x1xi32>
    %slice3A_19 = vector.extract_strided_slice %get3A_1 {offsets = [0, 1], sizes = [100, 999], strides = [1, 1]} : vector<100x1000xi32> to vector<100x999xi32>
    %concatenate3A_20 = tpu.concatenate %slice3A_19, %concatenate3A_18 in 1 : vector<100x999xi32>, vector<100x1xi32> -> vector<100x1000xi32>
    %ne3A = arith.cmpi ne, %get3A_1, %concatenate3A_14 : vector<100x1000xi32>
    %convert_element_type3A = arith.extui %ne3A : vector<100x1000xi1> to vector<100x1000xi32>
    %convert_element_type3A_21 = arith.sitofp %convert_element_type3A : vector<100x1000xi32> to vector<100x1000xf32>
    %ne3A_22 = arith.cmpi ne, %get3A_1, %concatenate3A_20 : vector<100x1000xi32>
    %convert_element_type3A_23 = arith.extui %ne3A_22 : vector<100x1000xi1> to vector<100x1000xi32>
    %convert_element_type3A_24 = arith.sitofp %convert_element_type3A_23 : vector<100x1000xi32> to vector<100x1000xf32>
    %swap3A = arith.constant 0 : index
    %swap3A_25 = arith.constant 0 : index
    %swap3A_26 = vector.load %arg16[%swap3A, %swap3A_25] : memref<100x1000xf32, #tpu.memory_space<vmem>>, vector<100x1000xf32>
    tpu.vector_store %arg16[%swap3A, %swap3A_25], %convert_element_type3A_21 {strides = array<i32>} : memref<100x1000xf32, #tpu.memory_space<vmem>>, vector<100x1000xf32>,
    %sub3A = arith.constant 1.000000e+00 : f32
    %sub3A_27 = vector.broadcast %sub3A : f32 to vector<100x1000xf32>
    %sub3A_28 = arith.subf %sub3A_27, %convert_element_type3A_24 : vector<100x1000xf32>
    %slice3A_29 = vector.extract_strided_slice %get3A_4 {offsets = [0, 0], sizes = [100, 1], strides = [1, 1]} : vector<100x1000xf32> to vector<100x1xf32>
    %slice3A_30 = vector.extract_strided_slice %slice3A_29 {offsets = [1, 0], sizes = [99, 1], strides = [1, 1]} : vector<100x1xf32> to vector<99x1xf32>
    %slice3A_31 = vector.extract_strided_slice %slice3A_29 {offsets = [0, 0], sizes = [1, 1], strides = [1, 1]} : vector<100x1xf32> to vector<1x1xf32>
    %concatenate3A_32 = tpu.concatenate %slice3A_30, %slice3A_31 in 0 : vector<99x1xf32>, vector<1x1xf32> -> vector<100x1xf32>
    %slice3A_33 = vector.extract_strided_slice %get3A_4 {offsets = [0, 1], sizes = [100, 999], strides = [1, 1]} : vector<100x1000xf32> to vector<100x999xf32>
    %concatenate3A_34 = tpu.concatenate %slice3A_33, %concatenate3A_32 in 1 : vector<100x999xf32>, vector<100x1xf32> -> vector<100x1000xf32>
    %sub3A_35 = arith.subf %concatenate3A_34, %get3A_4 : vector<100x1000xf32>
    %mul3A = arith.mulf %sub3A_35, %sub3A_28 : vector<100x1000xf32>
    %slice3A_36 = vector.extract_strided_slice %get3A_7 {offsets = [0, 0], sizes = [100, 1], strides = [1, 1]} : vector<100x1000xf32> to vector<100x1xf32>
    %slice3A_37 = vector.extract_strided_slice %slice3A_36 {offsets = [1, 0], sizes = [99, 1], strides = [1, 1]} : vector<100x1xf32> to vector<99x1xf32>
    %slice3A_38 = vector.extract_strided_slice %slice3A_36 {offsets = [0, 0], sizes = [1, 1], strides = [1, 1]} : vector<100x1xf32> to vector<1x1xf32>
    %concatenate3A_39 = tpu.concatenate %slice3A_37, %slice3A_38 in 0 : vector<99x1xf32>, vector<1x1xf32> -> vector<100x1xf32>
    %slice3A_40 = vector.extract_strided_slice %get3A_7 {offsets = [0, 1], sizes = [100, 999], strides = [1, 1]} : vector<100x1000xf32> to vector<100x999xf32>
    %concatenate3A_41 = tpu.concatenate %slice3A_40, %concatenate3A_39 in 1 : vector<100x999xf32>, vector<100x1xf32> -> vector<100x1000xf32>
    %sub3A_42 = arith.subf %concatenate3A_41, %get3A_7 : vector<100x1000xf32>
    %mul3A_43 = arith.mulf %sub3A_42, %sub3A_28 : vector<100x1000xf32>
    %slice3A_44 = vector.extract_strided_slice %get3A_10 {offsets = [0, 0], sizes = [100, 1], strides = [1, 1]} : vector<100x1000xf32> to vector<100x1xf32>
    %slice3A_45 = vector.extract_strided_slice %slice3A_44 {offsets = [1, 0], sizes = [99, 1], strides = [1, 1]} : vector<100x1xf32> to vector<99x1xf32>
    %slice3A_46 = vector.extract_strided_slice %slice3A_44 {offsets = [0, 0], sizes = [1, 1], strides = [1, 1]} : vector<100x1xf32> to vector<1x1xf32>
    %concatenate3A_47 = tpu.concatenate %slice3A_45, %slice3A_46 in 0 : vector<99x1xf32>, vector<1x1xf32> -> vector<100x1xf32>
    %slice3A_48 = vector.extract_strided_slice %get3A_10 {offsets = [0, 1], sizes = [100, 999], strides = [1, 1]} : vector<100x1000xf32> to vector<100x999xf32>
    %concatenate3A_49 = tpu.concatenate %slice3A_48, %concatenate3A_47 in 1 : vector<100x999xf32>, vector<100x1xf32> -> vector<100x1000xf32>
    %sub3A_50 = arith.subf %concatenate3A_49, %get3A_10 : vector<100x1000xf32>
    %mul3A_51 = arith.mulf %sub3A_50, %sub3A_28 : vector<100x1000xf32>
    %swap3A_52 = arith.constant 0 : index
    %swap3A_53 = arith.constant 0 : index
    %swap3A_54 = vector.load %arg12[%swap3A_52, %swap3A_53] : memref<100x1000xf32, #tpu.memory_space<vmem>>, vector<100x1000xf32>
    tpu.vector_store %arg12[%swap3A_52, %swap3A_53], %mul3A {strides = array<i32>} : memref<100x1000xf32, #tpu.memory_space<vmem>>, vector<100x1000xf32>,
    %swap3A_55 = arith.constant 0 : index
    %swap3A_56 = arith.constant 0 : index
    %swap3A_57 = vector.load %arg13[%swap3A_55, %swap3A_56] : memref<100x1000xf32, #tpu.memory_space<vmem>>, vector<100x1000xf32>
    tpu.vector_store %arg13[%swap3A_55, %swap3A_56], %mul3A_43 {strides = array<i32>} : memref<100x1000xf32, #tpu.memory_space<vmem>>, vector<100x1000xf32>,
    %swap3A_58 = arith.constant 0 : index
    %swap3A_59 = arith.constant 0 : index
    %swap3A_60 = vector.load %arg14[%swap3A_58, %swap3A_59] : memref<100x1000xf32, #tpu.memory_space<vmem>>, vector<100x1000xf32>
    tpu.vector_store %arg14[%swap3A_58, %swap3A_59], %mul3A_51 {strides = array<i32>} : memref<100x1000xf32, #tpu.memory_space<vmem>>, vector<100x1000xf32>,
    %iota3A = tpu.iota {dimensions = array<i32: 0>} : vector<1000x1000xi32>
    %iota3A_61 = tpu.iota {dimensions = array<i32: 1>} : vector<1000x1000xi32>
    %le3A = arith.cmpi sle, %iota3A, %iota3A_61 : vector<1000x1000xi32>
    %convert_element_type3A_62 = arith.extui %le3A : vector<1000x1000xi1> to vector<1000x1000xi32>
    %convert_element_type3A_63 = arith.sitofp %convert_element_type3A_62 : vector<1000x1000xi32> to vector<1000x1000xf32>
    %lt3A = arith.cmpi slt, %iota3A, %iota3A_61 : vector<1000x1000xi32>
    %convert_element_type3A_64 = arith.extui %lt3A : vector<1000x1000xi1> to vector<1000x1000xi32>
    %convert_element_type3A_65 = arith.sitofp %convert_element_type3A_64 : vector<1000x1000xi32> to vector<1000x1000xf32>
    %iota3A_66 = tpu.iota {dimensions = array<i32: 0>} : vector<1000x1xi32>
    %slice3A_67 = vector.extract_strided_slice %get3A_1 {offsets = [0, 0], sizes = [1, 1], strides = [1, 1]} : vector<100x1000xi32> to vector<1x1xi32>
    %slice3A_68 = vector.extract_strided_slice %get3A_1 {offsets = [0, 0], sizes = [1, 1], strides = [1, 1]} : vector<100x1000xi32> to vector<1x1xi32>
    %slice3A_69 = vector.extract_strided_slice %get3A_1 {offsets = [99, 999], sizes = [1, 1], strides = [1, 1]} : vector<100x1000xi32> to vector<1x1xi32>
    %ne3A_70 = arith.cmpi ne, %slice3A_68, %slice3A_69 : vector<1x1xi32>
    %convert_element_type3A_71 = arith.extui %ne3A_70 : vector<1x1xi1> to vector<1x1xi32>
    %convert_element_type3A_72 = arith.sitofp %convert_element_type3A_71 : vector<1x1xi32> to vector<1x1xf32>
    %broadcast_in_dim3A = arith.constant 0.000000e+00 : f32
    %broadcast_in_dim3A_73 = vector.broadcast %broadcast_in_dim3A : f32 to vector<16x1000xf32>
    %scan3A = arith.constant 0 : i32
    %scan3A_74 = arith.constant 100 : i32
    %scan3A_75 = arith.addi %scan3A, %scan3A_74 : i32
    %scan3A_76 = arith.constant 1 : i32
    %scan3A_77 = scf.for %scan3A_260 = %scan3A to %scan3A_75 step %scan3A_76 iter_args(%scan3A_261 = %broadcast_in_dim3A_73) -> (vector<16x1000xf32>)  : i32 {
      %get3A_262 = arith.index_cast %scan3A_260 : i32 to index
      %get3A_263 = arith.constant 0 : index
      %get3A_264 = vector.load %arg0[%get3A_262, %get3A_263] : memref<100x1000xi32, #tpu.memory_space<vmem>>, vector<1x1000xi32>
      %eq3A = vector.broadcast %iota3A_66 : vector<1000x1xi32> to vector<1000x1000xi32>
      %eq3A_265 = vector.broadcast %get3A_264 : vector<1x1000xi32> to vector<1000x1000xi32>
      %eq3A_266 = arith.cmpi eq, %eq3A, %eq3A_265 : vector<1000x1000xi32>
      %convert_element_type3A_267 = arith.extui %eq3A_266 : vector<1000x1000xi1> to vector<1000x1000xi32>
      %convert_element_type3A_268 = arith.sitofp %convert_element_type3A_267 : vector<1000x1000xi32> to vector<1000x1000xf32>
      %transpose3A = tpu.transpose %convert_element_type3A_268, [1, 0] : vector<1000x1000xf32> -> vector<1000x1000xf32>
      %get3A_269 = arith.index_cast %scan3A_260 : i32 to index
      %get3A_270 = arith.constant 0 : index
      %get3A_271 = vector.load %arg1[%get3A_269, %get3A_270] : memref<100x1000xf32, #tpu.memory_space<vmem>>, vector<1x1000xf32>
      %get3A_272 = arith.index_cast %scan3A_260 : i32 to index
      %get3A_273 = arith.constant 0 : index
      %get3A_274 = vector.load %arg2[%get3A_272, %get3A_273] : memref<100x1000xf32, #tpu.memory_space<vmem>>, vector<1x1000xf32>
      %get3A_275 = arith.index_cast %scan3A_260 : i32 to index
      %get3A_276 = arith.constant 0 : index
      %get3A_277 = vector.load %arg3[%get3A_275, %get3A_276] : memref<100x1000xf32, #tpu.memory_space<vmem>>, vector<1x1000xf32>
      %get3A_278 = arith.index_cast %scan3A_260 : i32 to index
      %get3A_279 = arith.constant 0 : index
      %get3A_280 = vector.load %arg12[%get3A_278, %get3A_279] : memref<100x1000xf32, #tpu.memory_space<vmem>>, vector<1x1000xf32>
      %get3A_281 = arith.index_cast %scan3A_260 : i32 to index
      %get3A_282 = arith.constant 0 : index
      %get3A_283 = vector.load %arg13[%get3A_281, %get3A_282] : memref<100x1000xf32, #tpu.memory_space<vmem>>, vector<1x1000xf32>
      %get3A_284 = arith.index_cast %scan3A_260 : i32 to index
      %get3A_285 = arith.constant 0 : index
      %get3A_286 = vector.load %arg14[%get3A_284, %get3A_285] : memref<100x1000xf32, #tpu.memory_space<vmem>>, vector<1x1000xf32>
      %broadcast_in_dim3A_287 = arith.constant 1.000000e+00 : f32
      %broadcast_in_dim3A_288 = vector.broadcast %broadcast_in_dim3A_287 : f32 to vector<1x1000xf32>
      %mul3A_289 = arith.mulf %get3A_271, %get3A_271 : vector<1x1000xf32>
      %mul3A_290 = arith.mulf %get3A_274, %get3A_274 : vector<1x1000xf32>
      %mul3A_291 = arith.mulf %get3A_277, %get3A_277 : vector<1x1000xf32>
      %broadcast_in_dim3A_292 = arith.constant 0.000000e+00 : f32
      %broadcast_in_dim3A_293 = vector.broadcast %broadcast_in_dim3A_292 : f32 to vector<6x1000xf32>
      %concatenate3A_294 = tpu.concatenate %broadcast_in_dim3A_288, %get3A_271, %get3A_274, %get3A_277, %mul3A_289, %mul3A_290, %mul3A_291, %get3A_280, %get3A_283, %get3A_286, %broadcast_in_dim3A_293 in 0 : vector<1x1000xf32>, vector<1x1000xf32>, vector<1x1000xf32>, vector<1x1000xf32>, vector<1x1000xf32>, vector<1x1000xf32>, vector<1x1000xf32>, vector<1x1000xf32>, vector<1x1000xf32>, vector<1x1000xf32>, vector<6x1000xf32> -> vector<16x1000xf32>
      %dot_general3A_295 = arith.constant dense<0.000000e+00> : vector<16x1000xf32>
      %dot_general3A_296 = tpu.matmul %concatenate3A_294, %transpose3A, %dot_general3A_295 {dimension_numbers = #tpu.dot_dimension_numbers<[1], [0], [0], [1], [0, 0, 1, 1], [], []>, precision = #tpu.contract_precision<fp32>, transpose_lhs_hint = false} : vector<16x1000xf32>, vector<1000x1000xf32>, vector<16x1000xf32> -> vector<16x1000xf32>
      %add3A_297 = arith.addf %scan3A_261, %dot_general3A_296 : vector<16x1000xf32>
      scf.yield %add3A_297 : vector<16x1000xf32>
    }
    %scan3A_78 = arith.constant 100 : i32
    %slice3A_79 = vector.extract_strided_slice %scan3A_77 {offsets = [0, 0], sizes = [1, 1000], strides = [1, 1]} : vector<16x1000xf32> to vector<1x1000xf32>
    %max3A = arith.constant 1.000000e+00 : f32
    %max3A_80 = vector.broadcast %max3A : f32 to vector<1x1000xf32>
    %max3A_81 = arith.maximumf %slice3A_79, %max3A_80 : vector<1x1000xf32>
    %slice3A_82 = vector.extract_strided_slice %scan3A_77 {offsets = [1, 0], sizes = [3, 1000], strides = [1, 1]} : vector<16x1000xf32> to vector<3x1000xf32>
    %div3A = vector.broadcast %max3A_81 : vector<1x1000xf32> to vector<3x1000xf32>
    %div3A_83 = arith.divf %slice3A_82, %div3A : vector<3x1000xf32>
    %slice3A_84 = vector.extract_strided_slice %scan3A_77 {offsets = [4, 0], sizes = [3, 1000], strides = [1, 1]} : vector<16x1000xf32> to vector<3x1000xf32>
    %div3A_85 = vector.broadcast %max3A_81 : vector<1x1000xf32> to vector<3x1000xf32>
    %div3A_86 = arith.divf %slice3A_84, %div3A_85 : vector<3x1000xf32>
    %mul3A_87 = arith.mulf %div3A_83, %div3A_83 : vector<3x1000xf32>
    %sub3A_88 = arith.subf %div3A_86, %mul3A_87 : vector<3x1000xf32>
    %max3A_89 = arith.constant 0.000000e+00 : f32
    %max3A_90 = vector.broadcast %max3A_89 : f32 to vector<3x1000xf32>
    %max3A_91 = arith.maximumf %sub3A_88, %max3A_90 : vector<3x1000xf32>
    %reduce_sum3A = arith.constant dense<0.000000e+00> : vector<1000xf32>
    %reduce_sum3A_92 = vector.multi_reduction <add>, %max3A_91, %reduce_sum3A [0] : vector<3x1000xf32> to vector<1000xf32>
    %broadcast_in_dim3A_93 = vector.shape_cast %reduce_sum3A_92 : vector<1000xf32> to vector<1x1000xf32>
    %sqrt3A = math.sqrt %broadcast_in_dim3A_93 : vector<1x1000xf32>
    %slice3A_94 = vector.extract_strided_slice %scan3A_77 {offsets = [7, 0], sizes = [3, 1000], strides = [1, 1]} : vector<16x1000xf32> to vector<3x1000xf32>
    %div3A_95 = vector.broadcast %max3A_81 : vector<1x1000xf32> to vector<3x1000xf32>
    %div3A_96 = arith.divf %slice3A_94, %div3A_95 : vector<3x1000xf32>
    %mul3A_97 = arith.mulf %div3A_96, %div3A_96 : vector<3x1000xf32>
    %reduce_sum3A_98 = arith.constant dense<0.000000e+00> : vector<1000xf32>
    %reduce_sum3A_99 = vector.multi_reduction <add>, %mul3A_97, %reduce_sum3A_98 [0] : vector<3x1000xf32> to vector<1000xf32>
    %broadcast_in_dim3A_100 = vector.shape_cast %reduce_sum3A_99 : vector<1000xf32> to vector<1x1000xf32>
    %add3A = arith.constant 9.99999974E-6 : f32
    %add3A_101 = vector.broadcast %add3A : f32 to vector<1x1000xf32>
    %add3A_102 = arith.addf %add3A_101, %broadcast_in_dim3A_100 : vector<1x1000xf32>
    %sqrt3A_103 = math.sqrt %add3A_102 : vector<1x1000xf32>
    %div3A_104 = vector.broadcast %sqrt3A_103 : vector<1x1000xf32> to vector<3x1000xf32>
    %div3A_105 = arith.divf %div3A_96, %div3A_104 : vector<3x1000xf32>
    %dot_general3A = arith.constant dense<0.000000e+00> : vector<1x1000xf32>
    %dot_general3A_106 = tpu.matmul %slice3A_79, %convert_element_type3A_65, %dot_general3A {dimension_numbers = #tpu.dot_dimension_numbers<[1], [0], [0], [1], [0, 0, 1, 1], [], []>, precision = #tpu.contract_precision<fp32>, transpose_lhs_hint = false} : vector<1x1000xf32>, vector<1000x1000xf32>, vector<1x1000xf32> -> vector<1x1000xf32>
    %log3A = math.log %slice3A_79 : vector<1x1000xf32>
    %broadcast_in_dim3A_107 = arith.constant 0.000000e+00 : f32
    %broadcast_in_dim3A_108 = vector.broadcast %broadcast_in_dim3A_107 : f32 to vector<3x1000xf32>
    %concatenate3A_109 = tpu.concatenate %sqrt3A, %log3A, %div3A_105, %broadcast_in_dim3A_108 in 0 : vector<1x1000xf32>, vector<1x1000xf32>, vector<3x1000xf32>, vector<3x1000xf32> -> vector<8x1000xf32>
    %swap3A_110 = arith.constant 0 : index
    %swap3A_111 = arith.constant 0 : index
    %swap3A_112 = vector.load %arg15[%swap3A_110, %swap3A_111] : memref<8x1000xf32, #tpu.memory_space<vmem>>, vector<8x1000xf32>
    tpu.vector_store %arg15[%swap3A_110, %swap3A_111], %concatenate3A_109 {strides = array<i32>} : memref<8x1000xf32, #tpu.memory_space<vmem>>, vector<8x1000xf32>,
    %concatenate3A_113 = tpu.concatenate %slice3A_79, %dot_general3A_106, %sqrt3A in 0 : vector<1x1000xf32>, vector<1x1000xf32>, vector<1x1000xf32> -> vector<3x1000xf32>
    %broadcast_in_dim3A_114 = arith.constant 0.000000e+00 : f32
    %broadcast_in_dim3A_115 = vector.broadcast %broadcast_in_dim3A_114 : f32 to vector<8x1000xf32>
    %scan3A_116 = arith.constant 0 : i32
    %scan3A_117 = arith.constant 100 : i32
    %scan3A_118 = arith.addi %scan3A_116, %scan3A_117 : i32
    %scan3A_119 = arith.constant 1 : i32
    %scan3A_120 = scf.for %scan3A_260 = %scan3A_116 to %scan3A_118 step %scan3A_119 iter_args(%scan3A_261 = %broadcast_in_dim3A_115) -> (vector<8x1000xf32>)  : i32 {
      %get3A_262 = arith.index_cast %scan3A_260 : i32 to index
      %get3A_263 = arith.constant 0 : index
      %get3A_264 = vector.load %arg0[%get3A_262, %get3A_263] : memref<100x1000xi32, #tpu.memory_space<vmem>>, vector<1x1000xi32>
      %eq3A = vector.broadcast %iota3A_66 : vector<1000x1xi32> to vector<1000x1000xi32>
      %eq3A_265 = vector.broadcast %get3A_264 : vector<1x1000xi32> to vector<1000x1000xi32>
      %eq3A_266 = arith.cmpi eq, %eq3A, %eq3A_265 : vector<1000x1000xi32>
      %convert_element_type3A_267 = arith.extui %eq3A_266 : vector<1000x1000xi1> to vector<1000x1000xi32>
      %convert_element_type3A_268 = arith.sitofp %convert_element_type3A_267 : vector<1000x1000xi32> to vector<1000x1000xf32>
      %transpose3A = tpu.transpose %convert_element_type3A_268, [1, 0] : vector<1000x1000xf32> -> vector<1000x1000xf32>
      %dot_general3A_269 = arith.constant dense<0.000000e+00> : vector<3x1000xf32>
      %dot_general3A_270 = tpu.matmul %concatenate3A_113, %convert_element_type3A_268, %dot_general3A_269 {dimension_numbers = #tpu.dot_dimension_numbers<[1], [0], [0], [1], [0, 0, 1, 1], [], []>, precision = #tpu.contract_precision<fp32>, transpose_lhs_hint = false} : vector<3x1000xf32>, vector<1000x1000xf32>, vector<3x1000xf32> -> vector<3x1000xf32>
      %slice3A_271 = vector.extract_strided_slice %dot_general3A_270 {offsets = [0, 0], sizes = [1, 1000], strides = [1, 1]} : vector<3x1000xf32> to vector<1x1000xf32>
      %slice3A_272 = vector.extract_strided_slice %dot_general3A_270 {offsets = [1, 0], sizes = [1, 1000], strides = [1, 1]} : vector<3x1000xf32> to vector<1x1000xf32>
      %slice3A_273 = vector.extract_strided_slice %dot_general3A_270 {offsets = [2, 0], sizes = [1, 1000], strides = [1, 1]} : vector<3x1000xf32> to vector<1x1000xf32>
      %get3A_274 = arith.index_cast %scan3A_260 : i32 to index
      %get3A_275 = arith.constant 0 : index
      %get3A_276 = vector.load %arg1[%get3A_274, %get3A_275] : memref<100x1000xf32, #tpu.memory_space<vmem>>, vector<1x1000xf32>
      %div3A_277 = arith.divf %get3A_276, %slice3A_273 : vector<1x1000xf32>
      %get3A_278 = arith.index_cast %scan3A_260 : i32 to index
      %get3A_279 = arith.constant 0 : index
      %get3A_280 = vector.load %arg2[%get3A_278, %get3A_279] : memref<100x1000xf32, #tpu.memory_space<vmem>>, vector<1x1000xf32>
      %div3A_281 = arith.divf %get3A_280, %slice3A_273 : vector<1x1000xf32>
      %get3A_282 = arith.index_cast %scan3A_260 : i32 to index
      %get3A_283 = arith.constant 0 : index
      %get3A_284 = vector.load %arg3[%get3A_282, %get3A_283] : memref<100x1000xf32, #tpu.memory_space<vmem>>, vector<1x1000xf32>
      %div3A_285 = arith.divf %get3A_284, %slice3A_273 : vector<1x1000xf32>
      %swap3A_286 = arith.index_cast %scan3A_260 : i32 to index
      %swap3A_287 = arith.constant 0 : index
      %swap3A_288 = vector.load %arg9[%swap3A_286, %swap3A_287] : memref<100x1000xf32, #tpu.memory_space<vmem>>, vector<1x1000xf32>
      tpu.vector_store %arg9[%swap3A_286, %swap3A_287], %div3A_277 {strides = array<i32>} : memref<100x1000xf32, #tpu.memory_space<vmem>>, vector<1x1000xf32>,
      %swap3A_289 = arith.index_cast %scan3A_260 : i32 to index
      %swap3A_290 = arith.constant 0 : index
      %swap3A_291 = vector.load %arg10[%swap3A_289, %swap3A_290] : memref<100x1000xf32, #tpu.memory_space<vmem>>, vector<1x1000xf32>
      tpu.vector_store %arg10[%swap3A_289, %swap3A_290], %div3A_281 {strides = array<i32>} : memref<100x1000xf32, #tpu.memory_space<vmem>>, vector<1x1000xf32>,
      %swap3A_292 = arith.index_cast %scan3A_260 : i32 to index
      %swap3A_293 = arith.constant 0 : index
      %swap3A_294 = vector.load %arg11[%swap3A_292, %swap3A_293] : memref<100x1000xf32, #tpu.memory_space<vmem>>, vector<1x1000xf32>
      tpu.vector_store %arg11[%swap3A_292, %swap3A_293], %div3A_285 {strides = array<i32>} : memref<100x1000xf32, #tpu.memory_space<vmem>>, vector<1x1000xf32>,
      %get3A_295 = arith.index_cast %scan3A_260 : i32 to index
      %get3A_296 = arith.constant 0 : index
      %get3A_297 = vector.load %arg12[%get3A_295, %get3A_296] : memref<100x1000xf32, #tpu.memory_space<vmem>>, vector<1x1000xf32>
      %div3A_298 = arith.divf %get3A_297, %slice3A_273 : vector<1x1000xf32>
      %get3A_299 = arith.index_cast %scan3A_260 : i32 to index
      %get3A_300 = arith.constant 0 : index
      %get3A_301 = vector.load %arg13[%get3A_299, %get3A_300] : memref<100x1000xf32, #tpu.memory_space<vmem>>, vector<1x1000xf32>
      %div3A_302 = arith.divf %get3A_301, %slice3A_273 : vector<1x1000xf32>
      %get3A_303 = arith.index_cast %scan3A_260 : i32 to index
      %get3A_304 = arith.constant 0 : index
      %get3A_305 = vector.load %arg14[%get3A_303, %get3A_304] : memref<100x1000xf32, #tpu.memory_space<vmem>>, vector<1x1000xf32>
      %div3A_306 = arith.divf %get3A_305, %slice3A_273 : vector<1x1000xf32>
      %swap3A_307 = arith.index_cast %scan3A_260 : i32 to index
      %swap3A_308 = arith.constant 0 : index
      %swap3A_309 = vector.load %arg12[%swap3A_307, %swap3A_308] : memref<100x1000xf32, #tpu.memory_space<vmem>>, vector<1x1000xf32>
      tpu.vector_store %arg12[%swap3A_307, %swap3A_308], %div3A_298 {strides = array<i32>} : memref<100x1000xf32, #tpu.memory_space<vmem>>, vector<1x1000xf32>,
      %swap3A_310 = arith.index_cast %scan3A_260 : i32 to index
      %swap3A_311 = arith.constant 0 : index
      %swap3A_312 = vector.load %arg13[%swap3A_310, %swap3A_311] : memref<100x1000xf32, #tpu.memory_space<vmem>>, vector<1x1000xf32>
      tpu.vector_store %arg13[%swap3A_310, %swap3A_311], %div3A_302 {strides = array<i32>} : memref<100x1000xf32, #tpu.memory_space<vmem>>, vector<1x1000xf32>,
      %swap3A_313 = arith.index_cast %scan3A_260 : i32 to index
      %swap3A_314 = arith.constant 0 : index
      %swap3A_315 = vector.load %arg14[%swap3A_313, %swap3A_314] : memref<100x1000xf32, #tpu.memory_space<vmem>>, vector<1x1000xf32>
      tpu.vector_store %arg14[%swap3A_313, %swap3A_314], %div3A_306 {strides = array<i32>} : memref<100x1000xf32, #tpu.memory_space<vmem>>, vector<1x1000xf32>,
      %mul3A_316 = arith.mulf %div3A_298, %div3A_298 : vector<1x1000xf32>
      %add3A_317 = arith.constant 9.99999974E-6 : f32
      %add3A_318 = vector.broadcast %add3A_317 : f32 to vector<1x1000xf32>
      %add3A_319 = arith.addf %add3A_318, %mul3A_316 : vector<1x1000xf32>
      %mul3A_320 = arith.mulf %div3A_302, %div3A_302 : vector<1x1000xf32>
      %add3A_321 = arith.addf %add3A_319, %mul3A_320 : vector<1x1000xf32>
      %mul3A_322 = arith.mulf %div3A_306, %div3A_306 : vector<1x1000xf32>
      %add3A_323 = arith.addf %add3A_321, %mul3A_322 : vector<1x1000xf32>
      %sqrt3A_324 = math.sqrt %add3A_323 : vector<1x1000xf32>
      %swap3A_325 = arith.index_cast %scan3A_260 : i32 to index
      %swap3A_326 = arith.constant 0 : index
      %swap3A_327 = vector.load %arg7[%swap3A_325, %swap3A_326] : memref<100x1000xf32, #tpu.memory_space<vmem>>, vector<1x1000xf32>
      tpu.vector_store %arg7[%swap3A_325, %swap3A_326], %sqrt3A_324 {strides = array<i32>} : memref<100x1000xf32, #tpu.memory_space<vmem>>, vector<1x1000xf32>,
      %get3A_328 = arith.index_cast %scan3A_260 : i32 to index
      %get3A_329 = arith.constant 0 : index
      %get3A_330 = vector.load %arg16[%get3A_328, %get3A_329] : memref<100x1000xf32, #tpu.memory_space<vmem>>, vector<1x1000xf32>
      %mul3A_331 = arith.mulf %sqrt3A_324, %sqrt3A_324 : vector<1x1000xf32>
      %mul3A_332 = arith.mulf %sqrt3A_324, %get3A_330 : vector<1x1000xf32>
      %broadcast_in_dim3A_333 = arith.constant 0.000000e+00 : f32
      %broadcast_in_dim3A_334 = vector.broadcast %broadcast_in_dim3A_333 : f32 to vector<5x1000xf32>
      %concatenate3A_335 = tpu.concatenate %sqrt3A_324, %mul3A_331, %mul3A_332, %broadcast_in_dim3A_334 in 0 : vector<1x1000xf32>, vector<1x1000xf32>, vector<1x1000xf32>, vector<5x1000xf32> -> vector<8x1000xf32>
      %iota3A_336 = tpu.iota {dimensions = array<i32: 1>} : vector<1x1000xi32>
      %convert_element_type3A_337 = arith.sitofp %iota3A_336 : vector<1x1000xi32> to vector<1x1000xf32>
      %sub3A_338 = arith.constant 1.000000e+00 : f32
      %sub3A_339 = vector.broadcast %sub3A_338 : f32 to vector<1x1xf32>
      %sub3A_340 = arith.subf %sub3A_339, %convert_element_type3A_72 : vector<1x1xf32>
      %eq3A_341 = vector.broadcast %slice3A_67 : vector<1x1xi32> to vector<1x1000xi32>
      %eq3A_342 = arith.cmpi eq, %get3A_264, %eq3A_341 : vector<1x1000xi32>
      %convert_element_type3A_343 = arith.extui %eq3A_342 : vector<1x1000xi1> to vector<1x1000xi32>
      %convert_element_type3A_344 = arith.sitofp %convert_element_type3A_343 : vector<1x1000xi32> to vector<1x1000xf32>
      %mul3A_345 = vector.broadcast %sub3A_340 : vector<1x1xf32> to vector<1x1000xf32>
      %mul3A_346 = arith.mulf %mul3A_345, %convert_element_type3A_344 : vector<1x1000xf32>
      %convert_element_type3A_347 = arith.sitofp %scan3A_260 : i32 to f32
      %mul3A_348 = arith.constant 1.000000e+03 : f32
      %mul3A_349 = arith.mulf %convert_element_type3A_347, %mul3A_348 : f32
      %add3A_350 = vector.broadcast %mul3A_349 : f32 to vector<1x1000xf32>
      %add3A_351 = arith.addf %add3A_350, %convert_element_type3A_337 : vector<1x1000xf32>
      %add3A_352 = arith.constant 1.000000e+00 : f32
      %add3A_353 = vector.broadcast %add3A_352 : f32 to vector<1x1000xf32>
      %add3A_354 = arith.addf %add3A_351, %add3A_353 : vector<1x1000xf32>
      %sub3A_355 = arith.subf %add3A_354, %slice3A_272 : vector<1x1000xf32>
      %sub3A_356 = arith.subf %sub3A_355, %mul3A_346 : vector<1x1000xf32>
      %div3A_357 = arith.divf %sub3A_356, %slice3A_271 : vector<1x1000xf32>
      %swap3A_358 = arith.index_cast %scan3A_260 : i32 to index
      %swap3A_359 = arith.constant 0 : index
      %swap3A_360 = vector.load %arg4[%swap3A_358, %swap3A_359] : memref<100x1000xf32, #tpu.memory_space<vmem>>, vector<1x1000xf32>
      tpu.vector_store %arg4[%swap3A_358, %swap3A_359], %div3A_357 {strides = array<i32>} : memref<100x1000xf32, #tpu.memory_space<vmem>>, vector<1x1000xf32>,
      %dot_general3A_361 = arith.constant dense<0.000000e+00> : vector<8x1000xf32>
      %dot_general3A_362 = tpu.matmul %concatenate3A_335, %transpose3A, %dot_general3A_361 {dimension_numbers = #tpu.dot_dimension_numbers<[1], [0], [0], [1], [0, 0, 1, 1], [], []>, precision = #tpu.contract_precision<fp32>, transpose_lhs_hint = false} : vector<8x1000xf32>, vector<1000x1000xf32>, vector<8x1000xf32> -> vector<8x1000xf32>
      %add3A_363 = arith.addf %scan3A_261, %dot_general3A_362 : vector<8x1000xf32>
      scf.yield %add3A_363 : vector<8x1000xf32>
    }
    %scan3A_121 = arith.constant 100 : i32
    %slice3A_122 = vector.extract_strided_slice %scan3A_120 {offsets = [0, 0], sizes = [1, 1000], strides = [1, 1]} : vector<8x1000xf32> to vector<1x1000xf32>
    %slice3A_123 = vector.extract_strided_slice %scan3A_120 {offsets = [1, 0], sizes = [1, 1000], strides = [1, 1]} : vector<8x1000xf32> to vector<1x1000xf32>
    %slice3A_124 = vector.extract_strided_slice %scan3A_120 {offsets = [2, 0], sizes = [1, 1000], strides = [1, 1]} : vector<8x1000xf32> to vector<1x1000xf32>
    %dot_general3A_125 = arith.constant dense<0.000000e+00> : vector<1x1000xf32>
    %dot_general3A_126 = tpu.matmul %slice3A_122, %convert_element_type3A_65, %dot_general3A_125 {dimension_numbers = #tpu.dot_dimension_numbers<[1], [0], [0], [1], [0, 0, 1, 1], [], []>, precision = #tpu.contract_precision<fp32>, transpose_lhs_hint = false} : vector<1x1000xf32>, vector<1000x1000xf32>, vector<1x1000xf32> -> vector<1x1000xf32>
    %dot_general3A_127 = arith.constant dense<0.000000e+00> : vector<1x1000xf32>
    %dot_general3A_128 = tpu.matmul %slice3A_123, %convert_element_type3A_65, %dot_general3A_127 {dimension_numbers = #tpu.dot_dimension_numbers<[1], [0], [0], [1], [0, 0, 1, 1], [], []>, precision = #tpu.contract_precision<fp32>, transpose_lhs_hint = false} : vector<1x1000xf32>, vector<1000x1000xf32>, vector<1x1000xf32> -> vector<1x1000xf32>
    %concatenate3A_129 = tpu.concatenate %dot_general3A_126, %dot_general3A_128, %slice3A_124 in 0 : vector<1x1000xf32>, vector<1x1000xf32>, vector<1x1000xf32> -> vector<3x1000xf32>
    %get3A_130 = arith.constant 0 : index
    %get3A_131 = arith.constant 0 : index
    %get3A_132 = vector.load %arg7[%get3A_130, %get3A_131] : memref<100x1000xf32, #tpu.memory_space<vmem>>, vector<100x1000xf32>
    %iota3A_133 = tpu.iota {dimensions = array<i32: 0>} : vector<100x100xi32>
    %iota3A_134 = tpu.iota {dimensions = array<i32: 1>} : vector<100x100xi32>
    %lt3A_135 = arith.cmpi slt, %iota3A_134, %iota3A_133 : vector<100x100xi32>
    %convert_element_type3A_136 = arith.extui %lt3A_135 : vector<100x100xi1> to vector<100x100xi32>
    %convert_element_type3A_137 = arith.sitofp %convert_element_type3A_136 : vector<100x100xi32> to vector<100x100xf32>
    %dot_general3A_138 = arith.constant dense<0.000000e+00> : vector<100x1000xf32>
    %dot_general3A_139 = tpu.matmul %get3A_132, %convert_element_type3A_63, %dot_general3A_138 {dimension_numbers = #tpu.dot_dimension_numbers<[1], [0], [0], [1], [0, 0, 1, 1], [], []>, precision = #tpu.contract_precision<fp32>, transpose_lhs_hint = false} : vector<100x1000xf32>, vector<1000x1000xf32>, vector<100x1000xf32> -> vector<100x1000xf32>
    %slice3A_140 = vector.extract_strided_slice %dot_general3A_139 {offsets = [0, 999], sizes = [100, 1], strides = [1, 1]} : vector<100x1000xf32> to vector<100x1xf32>
    %dot_general3A_141 = arith.constant dense<0.000000e+00> : vector<100x1xf32>
    %dot_general3A_142 = tpu.matmul %convert_element_type3A_137, %slice3A_140, %dot_general3A_141 {dimension_numbers = #tpu.dot_dimension_numbers<[1], [0], [0], [1], [0, 0, 1, 1], [], []>, precision = #tpu.contract_precision<fp32>, transpose_lhs_hint = false} : vector<100x100xf32>, vector<100x1xf32>, vector<100x1xf32> -> vector<100x1xf32>
    %add3A_143 = vector.broadcast %dot_general3A_142 : vector<100x1xf32> to vector<100x1000xf32>
    %add3A_144 = arith.addf %dot_general3A_139, %add3A_143 : vector<100x1000xf32>
    %swap3A_145 = arith.constant 0 : index
    %swap3A_146 = arith.constant 0 : index
    %swap3A_147 = vector.load %arg17[%swap3A_145, %swap3A_146] : memref<100x1000xf32, #tpu.memory_space<vmem>>, vector<100x1000xf32>
    tpu.vector_store %arg17[%swap3A_145, %swap3A_146], %add3A_144 {strides = array<i32>} : memref<100x1000xf32, #tpu.memory_space<vmem>>, vector<100x1000xf32>,
    %mul3A_148 = arith.mulf %get3A_132, %get3A_132 : vector<100x1000xf32>
    %dot_general3A_149 = arith.constant dense<0.000000e+00> : vector<100x1000xf32>
    %dot_general3A_150 = tpu.matmul %mul3A_148, %convert_element_type3A_63, %dot_general3A_149 {dimension_numbers = #tpu.dot_dimension_numbers<[1], [0], [0], [1], [0, 0, 1, 1], [], []>, precision = #tpu.contract_precision<fp32>, transpose_lhs_hint = false} : vector<100x1000xf32>, vector<1000x1000xf32>, vector<100x1000xf32> -> vector<100x1000xf32>
    %slice3A_151 = vector.extract_strided_slice %dot_general3A_150 {offsets = [0, 999], sizes = [100, 1], strides = [1, 1]} : vector<100x1000xf32> to vector<100x1xf32>
    %dot_general3A_152 = arith.constant dense<0.000000e+00> : vector<100x1xf32>
    %dot_general3A_153 = tpu.matmul %convert_element_type3A_137, %slice3A_151, %dot_general3A_152 {dimension_numbers = #tpu.dot_dimension_numbers<[1], [0], [0], [1], [0, 0, 1, 1], [], []>, precision = #tpu.contract_precision<fp32>, transpose_lhs_hint = false} : vector<100x100xf32>, vector<100x1xf32>, vector<100x1xf32> -> vector<100x1xf32>
    %add3A_154 = vector.broadcast %dot_general3A_153 : vector<100x1xf32> to vector<100x1000xf32>
    %add3A_155 = arith.addf %dot_general3A_150, %add3A_154 : vector<100x1000xf32>
    %swap3A_156 = arith.constant 0 : index
    %swap3A_157 = arith.constant 0 : index
    %swap3A_158 = vector.load %arg18[%swap3A_156, %swap3A_157] : memref<100x1000xf32, #tpu.memory_space<vmem>>, vector<100x1000xf32>
    tpu.vector_store %arg18[%swap3A_156, %swap3A_157], %add3A_155 {strides = array<i32>} : memref<100x1000xf32, #tpu.memory_space<vmem>>, vector<100x1000xf32>,
    %broadcast_in_dim3A_159 = arith.constant 0.000000e+00 : f32
    %broadcast_in_dim3A_160 = vector.broadcast %broadcast_in_dim3A_159 : f32 to vector<100x1xf32>
    %slice3A_161 = vector.extract_strided_slice %get3A_132 {offsets = [0, 0], sizes = [100, 999], strides = [1, 1]} : vector<100x1000xf32> to vector<100x999xf32>
    %concatenate3A_162 = tpu.concatenate %broadcast_in_dim3A_160, %slice3A_161 in 1 : vector<100x1xf32>, vector<100x999xf32> -> vector<100x1000xf32>
    %max3A_163 = arith.maximumf %get3A_132, %concatenate3A_162 : vector<100x1000xf32>
    %broadcast_in_dim3A_164 = arith.constant 0.000000e+00 : f32
    %broadcast_in_dim3A_165 = vector.broadcast %broadcast_in_dim3A_164 : f32 to vector<100x2xf32>
    %slice3A_166 = vector.extract_strided_slice %max3A_163 {offsets = [0, 0], sizes = [100, 998], strides = [1, 1]} : vector<100x1000xf32> to vector<100x998xf32>
    %concatenate3A_167 = tpu.concatenate %broadcast_in_dim3A_165, %slice3A_166 in 1 : vector<100x2xf32>, vector<100x998xf32> -> vector<100x1000xf32>
    %max3A_168 = arith.maximumf %max3A_163, %concatenate3A_167 : vector<100x1000xf32>
    %broadcast_in_dim3A_169 = arith.constant 0.000000e+00 : f32
    %broadcast_in_dim3A_170 = vector.broadcast %broadcast_in_dim3A_169 : f32 to vector<100x4xf32>
    %slice3A_171 = vector.extract_strided_slice %max3A_168 {offsets = [0, 0], sizes = [100, 996], strides = [1, 1]} : vector<100x1000xf32> to vector<100x996xf32>
    %concatenate3A_172 = tpu.concatenate %broadcast_in_dim3A_170, %slice3A_171 in 1 : vector<100x4xf32>, vector<100x996xf32> -> vector<100x1000xf32>
    %max3A_173 = arith.maximumf %max3A_168, %concatenate3A_172 : vector<100x1000xf32>
    %broadcast_in_dim3A_174 = arith.constant 0.000000e+00 : f32
    %broadcast_in_dim3A_175 = vector.broadcast %broadcast_in_dim3A_174 : f32 to vector<100x8xf32>
    %slice3A_176 = vector.extract_strided_slice %max3A_173 {offsets = [0, 0], sizes = [100, 992], strides = [1, 1]} : vector<100x1000xf32> to vector<100x992xf32>
    %concatenate3A_177 = tpu.concatenate %broadcast_in_dim3A_175, %slice3A_176 in 1 : vector<100x8xf32>, vector<100x992xf32> -> vector<100x1000xf32>
    %max3A_178 = arith.maximumf %max3A_173, %concatenate3A_177 : vector<100x1000xf32>
    %broadcast_in_dim3A_179 = arith.constant 0.000000e+00 : f32
    %broadcast_in_dim3A_180 = vector.broadcast %broadcast_in_dim3A_179 : f32 to vector<100x16xf32>
    %slice3A_181 = vector.extract_strided_slice %max3A_178 {offsets = [0, 0], sizes = [100, 984], strides = [1, 1]} : vector<100x1000xf32> to vector<100x984xf32>
    %concatenate3A_182 = tpu.concatenate %broadcast_in_dim3A_180, %slice3A_181 in 1 : vector<100x16xf32>, vector<100x984xf32> -> vector<100x1000xf32>
    %max3A_183 = arith.maximumf %max3A_178, %concatenate3A_182 : vector<100x1000xf32>
    %broadcast_in_dim3A_184 = arith.constant 0.000000e+00 : f32
    %broadcast_in_dim3A_185 = vector.broadcast %broadcast_in_dim3A_184 : f32 to vector<100x32xf32>
    %slice3A_186 = vector.extract_strided_slice %max3A_183 {offsets = [0, 0], sizes = [100, 968], strides = [1, 1]} : vector<100x1000xf32> to vector<100x968xf32>
    %concatenate3A_187 = tpu.concatenate %broadcast_in_dim3A_185, %slice3A_186 in 1 : vector<100x32xf32>, vector<100x968xf32> -> vector<100x1000xf32>
    %max3A_188 = arith.maximumf %max3A_183, %concatenate3A_187 : vector<100x1000xf32>
    %broadcast_in_dim3A_189 = arith.constant 0.000000e+00 : f32
    %broadcast_in_dim3A_190 = vector.broadcast %broadcast_in_dim3A_189 : f32 to vector<100x64xf32>
    %slice3A_191 = vector.extract_strided_slice %max3A_188 {offsets = [0, 0], sizes = [100, 936], strides = [1, 1]} : vector<100x1000xf32> to vector<100x936xf32>
    %concatenate3A_192 = tpu.concatenate %broadcast_in_dim3A_190, %slice3A_191 in 1 : vector<100x64xf32>, vector<100x936xf32> -> vector<100x1000xf32>
    %max3A_193 = arith.maximumf %max3A_188, %concatenate3A_192 : vector<100x1000xf32>
    %broadcast_in_dim3A_194 = arith.constant 0.000000e+00 : f32
    %broadcast_in_dim3A_195 = vector.broadcast %broadcast_in_dim3A_194 : f32 to vector<100x128xf32>
    %slice3A_196 = vector.extract_strided_slice %max3A_193 {offsets = [0, 0], sizes = [100, 872], strides = [1, 1]} : vector<100x1000xf32> to vector<100x872xf32>
    %concatenate3A_197 = tpu.concatenate %broadcast_in_dim3A_195, %slice3A_196 in 1 : vector<100x128xf32>, vector<100x872xf32> -> vector<100x1000xf32>
    %max3A_198 = arith.maximumf %max3A_193, %concatenate3A_197 : vector<100x1000xf32>
    %broadcast_in_dim3A_199 = arith.constant 0.000000e+00 : f32
    %broadcast_in_dim3A_200 = vector.broadcast %broadcast_in_dim3A_199 : f32 to vector<100x256xf32>
    %slice3A_201 = vector.extract_strided_slice %max3A_198 {offsets = [0, 0], sizes = [100, 744], strides = [1, 1]} : vector<100x1000xf32> to vector<100x744xf32>
    %concatenate3A_202 = tpu.concatenate %broadcast_in_dim3A_200, %slice3A_201 in 1 : vector<100x256xf32>, vector<100x744xf32> -> vector<100x1000xf32>
    %max3A_203 = arith.maximumf %max3A_198, %concatenate3A_202 : vector<100x1000xf32>
    %broadcast_in_dim3A_204 = arith.constant 0.000000e+00 : f32
    %broadcast_in_dim3A_205 = vector.broadcast %broadcast_in_dim3A_204 : f32 to vector<100x512xf32>
    %slice3A_206 = vector.extract_strided_slice %max3A_203 {offsets = [0, 0], sizes = [100, 488], strides = [1, 1]} : vector<100x1000xf32> to vector<100x488xf32>
    %concatenate3A_207 = tpu.concatenate %broadcast_in_dim3A_205, %slice3A_206 in 1 : vector<100x512xf32>, vector<100x488xf32> -> vector<100x1000xf32>
    %max3A_208 = arith.maximumf %max3A_203, %concatenate3A_207 : vector<100x1000xf32>
    %slice3A_209 = vector.extract_strided_slice %max3A_208 {offsets = [0, 999], sizes = [100, 1], strides = [1, 1]} : vector<100x1000xf32> to vector<100x1xf32>
    %broadcast_in_dim3A_210 = arith.constant 0.000000e+00 : f32
    %broadcast_in_dim3A_211 = vector.broadcast %broadcast_in_dim3A_210 : f32 to vector<1x1xf32>
    %slice3A_212 = vector.extract_strided_slice %slice3A_209 {offsets = [0, 0], sizes = [99, 1], strides = [1, 1]} : vector<100x1xf32> to vector<99x1xf32>
    %concatenate3A_213 = tpu.concatenate %broadcast_in_dim3A_211, %slice3A_212 in 0 : vector<1x1xf32>, vector<99x1xf32> -> vector<100x1xf32>
    %max3A_214 = arith.maximumf %slice3A_209, %concatenate3A_213 : vector<100x1xf32>
    %broadcast_in_dim3A_215 = arith.constant 0.000000e+00 : f32
    %broadcast_in_dim3A_216 = vector.broadcast %broadcast_in_dim3A_215 : f32 to vector<2x1xf32>
    %slice3A_217 = vector.extract_strided_slice %max3A_214 {offsets = [0, 0], sizes = [98, 1], strides = [1, 1]} : vector<100x1xf32> to vector<98x1xf32>
    %concatenate3A_218 = tpu.concatenate %broadcast_in_dim3A_216, %slice3A_217 in 0 : vector<2x1xf32>, vector<98x1xf32> -> vector<100x1xf32>
    %max3A_219 = arith.maximumf %max3A_214, %concatenate3A_218 : vector<100x1xf32>
    %broadcast_in_dim3A_220 = arith.constant 0.000000e+00 : f32
    %broadcast_in_dim3A_221 = vector.broadcast %broadcast_in_dim3A_220 : f32 to vector<4x1xf32>
    %slice3A_222 = vector.extract_strided_slice %max3A_219 {offsets = [0, 0], sizes = [96, 1], strides = [1, 1]} : vector<100x1xf32> to vector<96x1xf32>
    %concatenate3A_223 = tpu.concatenate %broadcast_in_dim3A_221, %slice3A_222 in 0 : vector<4x1xf32>, vector<96x1xf32> -> vector<100x1xf32>
    %max3A_224 = arith.maximumf %max3A_219, %concatenate3A_223 : vector<100x1xf32>
    %broadcast_in_dim3A_225 = arith.constant 0.000000e+00 : f32
    %broadcast_in_dim3A_226 = vector.broadcast %broadcast_in_dim3A_225 : f32 to vector<8x1xf32>
    %slice3A_227 = vector.extract_strided_slice %max3A_224 {offsets = [0, 0], sizes = [92, 1], strides = [1, 1]} : vector<100x1xf32> to vector<92x1xf32>
    %concatenate3A_228 = tpu.concatenate %broadcast_in_dim3A_226, %slice3A_227 in 0 : vector<8x1xf32>, vector<92x1xf32> -> vector<100x1xf32>
    %max3A_229 = arith.maximumf %max3A_224, %concatenate3A_228 : vector<100x1xf32>
    %broadcast_in_dim3A_230 = arith.constant 0.000000e+00 : f32
    %broadcast_in_dim3A_231 = vector.broadcast %broadcast_in_dim3A_230 : f32 to vector<16x1xf32>
    %slice3A_232 = vector.extract_strided_slice %max3A_229 {offsets = [0, 0], sizes = [84, 1], strides = [1, 1]} : vector<100x1xf32> to vector<84x1xf32>
    %concatenate3A_233 = tpu.concatenate %broadcast_in_dim3A_231, %slice3A_232 in 0 : vector<16x1xf32>, vector<84x1xf32> -> vector<100x1xf32>
    %max3A_234 = arith.maximumf %max3A_229, %concatenate3A_233 : vector<100x1xf32>
    %broadcast_in_dim3A_235 = arith.constant 0.000000e+00 : f32
    %broadcast_in_dim3A_236 = vector.broadcast %broadcast_in_dim3A_235 : f32 to vector<32x1xf32>
    %slice3A_237 = vector.extract_strided_slice %max3A_234 {offsets = [0, 0], sizes = [68, 1], strides = [1, 1]} : vector<100x1xf32> to vector<68x1xf32>
    %concatenate3A_238 = tpu.concatenate %broadcast_in_dim3A_236, %slice3A_237 in 0 : vector<32x1xf32>, vector<68x1xf32> -> vector<100x1xf32>
    %max3A_239 = arith.maximumf %max3A_234, %concatenate3A_238 : vector<100x1xf32>
    %broadcast_in_dim3A_240 = arith.constant 0.000000e+00 : f32
    %broadcast_in_dim3A_241 = vector.broadcast %broadcast_in_dim3A_240 : f32 to vector<64x1xf32>
    %slice3A_242 = vector.extract_strided_slice %max3A_239 {offsets = [0, 0], sizes = [36, 1], strides = [1, 1]} : vector<100x1xf32> to vector<36x1xf32>
    %concatenate3A_243 = tpu.concatenate %broadcast_in_dim3A_241, %slice3A_242 in 0 : vector<64x1xf32>, vector<36x1xf32> -> vector<100x1xf32>
    %max3A_244 = arith.maximumf %max3A_239, %concatenate3A_243 : vector<100x1xf32>
    %broadcast_in_dim3A_245 = arith.constant 0.000000e+00 : f32
    %broadcast_in_dim3A_246 = vector.broadcast %broadcast_in_dim3A_245 : f32 to vector<1x1xf32>
    %slice3A_247 = vector.extract_strided_slice %max3A_244 {offsets = [0, 0], sizes = [99, 1], strides = [1, 1]} : vector<100x1xf32> to vector<99x1xf32>
    %concatenate3A_248 = tpu.concatenate %broadcast_in_dim3A_246, %slice3A_247 in 0 : vector<1x1xf32>, vector<99x1xf32> -> vector<100x1xf32>
    %max3A_249 = vector.broadcast %concatenate3A_248 : vector<100x1xf32> to vector<100x1000xf32>
    %max3A_250 = arith.maximumf %max3A_208, %max3A_249 : vector<100x1000xf32>
    %swap3A_251 = arith.constant 0 : index
    %swap3A_252 = arith.constant 0 : index
    %swap3A_253 = vector.load %arg19[%swap3A_251, %swap3A_252] : memref<100x1000xf32, #tpu.memory_space<vmem>>, vector<100x1000xf32>
    tpu.vector_store %arg19[%swap3A_251, %swap3A_252], %max3A_250 {strides = array<i32>} : memref<100x1000xf32, #tpu.memory_space<vmem>>, vector<100x1000xf32>,
    %slice3A_254 = vector.extract_strided_slice %get3A_132 {offsets = [0, 0], sizes = [1, 1], strides = [1, 1]} : vector<100x1000xf32> to vector<1x1xf32>
    %scan3A_255 = arith.constant 0 : i32
    %scan3A_256 = arith.constant 100 : i32
    %scan3A_257 = arith.addi %scan3A_255, %scan3A_256 : i32
    %scan3A_258 = arith.constant 1 : i32
    scf.for %scan3A_260 = %scan3A_255 to %scan3A_257 step %scan3A_258  : i32 {
      %get3A_261 = arith.index_cast %scan3A_260 : i32 to index
      %get3A_262 = arith.constant 0 : index
      %get3A_263 = vector.load %arg0[%get3A_261, %get3A_262] : memref<100x1000xi32, #tpu.memory_space<vmem>>, vector<1x1000xi32>
      %eq3A = vector.broadcast %iota3A_66 : vector<1000x1xi32> to vector<1000x1000xi32>
      %eq3A_264 = vector.broadcast %get3A_263 : vector<1x1000xi32> to vector<1000x1000xi32>
      %eq3A_265 = arith.cmpi eq, %eq3A, %eq3A_264 : vector<1000x1000xi32>
      %convert_element_type3A_266 = arith.extui %eq3A_265 : vector<1000x1000xi1> to vector<1000x1000xi32>
      %convert_element_type3A_267 = arith.sitofp %convert_element_type3A_266 : vector<1000x1000xi32> to vector<1000x1000xf32>
      %dot_general3A_268 = arith.constant dense<0.000000e+00> : vector<3x1000xf32>
      %dot_general3A_269 = tpu.matmul %concatenate3A_129, %convert_element_type3A_267, %dot_general3A_268 {dimension_numbers = #tpu.dot_dimension_numbers<[1], [0], [0], [1], [0, 0, 1, 1], [], []>, precision = #tpu.contract_precision<fp32>, transpose_lhs_hint = false} : vector<3x1000xf32>, vector<1000x1000xf32>, vector<3x1000xf32> -> vector<3x1000xf32>
      %sub3A_270 = arith.constant 1.000000e+00 : f32
      %sub3A_271 = vector.broadcast %sub3A_270 : f32 to vector<1x1xf32>
      %sub3A_272 = arith.subf %sub3A_271, %convert_element_type3A_72 : vector<1x1xf32>
      %eq3A_273 = vector.broadcast %slice3A_67 : vector<1x1xi32> to vector<1x1000xi32>
      %eq3A_274 = arith.cmpi eq, %get3A_263, %eq3A_273 : vector<1x1000xi32>
      %convert_element_type3A_275 = arith.extui %eq3A_274 : vector<1x1000xi1> to vector<1x1000xi32>
      %convert_element_type3A_276 = arith.sitofp %convert_element_type3A_275 : vector<1x1000xi32> to vector<1x1000xf32>
      %mul3A_277 = vector.broadcast %sub3A_272 : vector<1x1xf32> to vector<1x1000xf32>
      %mul3A_278 = arith.mulf %mul3A_277, %convert_element_type3A_276 : vector<1x1000xf32>
      %get3A_279 = arith.index_cast %scan3A_260 : i32 to index
      %get3A_280 = arith.constant 0 : index
      %get3A_281 = vector.load %arg17[%get3A_279, %get3A_280] : memref<100x1000xf32, #tpu.memory_space<vmem>>, vector<1x1000xf32>
      %get3A_282 = arith.index_cast %scan3A_260 : i32 to index
      %get3A_283 = arith.constant 0 : index
      %get3A_284 = vector.load %arg18[%get3A_282, %get3A_283] : memref<100x1000xf32, #tpu.memory_space<vmem>>, vector<1x1000xf32>
      %get3A_285 = arith.index_cast %scan3A_260 : i32 to index
      %get3A_286 = arith.constant 0 : index
      %get3A_287 = vector.load %arg19[%get3A_285, %get3A_286] : memref<100x1000xf32, #tpu.memory_space<vmem>>, vector<1x1000xf32>
      %slice3A_288 = vector.extract_strided_slice %dot_general3A_269 {offsets = [0, 0], sizes = [1, 1000], strides = [1, 1]} : vector<3x1000xf32> to vector<1x1000xf32>
      %sub3A_289 = arith.subf %get3A_281, %slice3A_288 : vector<1x1000xf32>
      %mul3A_290 = vector.broadcast %slice3A_254 : vector<1x1xf32> to vector<1x1000xf32>
      %mul3A_291 = arith.mulf %mul3A_278, %mul3A_290 : vector<1x1000xf32>
      %sub3A_292 = arith.subf %sub3A_289, %mul3A_291 : vector<1x1000xf32>
      %swap3A_293 = arith.index_cast %scan3A_260 : i32 to index
      %swap3A_294 = arith.constant 0 : index
      %swap3A_295 = vector.load %arg5[%swap3A_293, %swap3A_294] : memref<100x1000xf32, #tpu.memory_space<vmem>>, vector<1x1000xf32>
      tpu.vector_store %arg5[%swap3A_293, %swap3A_294], %sub3A_292 {strides = array<i32>} : memref<100x1000xf32, #tpu.memory_space<vmem>>, vector<1x1000xf32>,
      %slice3A_296 = vector.extract_strided_slice %dot_general3A_269 {offsets = [1, 0], sizes = [1, 1000], strides = [1, 1]} : vector<3x1000xf32> to vector<1x1000xf32>
      %sub3A_297 = arith.subf %get3A_284, %slice3A_296 : vector<1x1000xf32>
      %mul3A_298 = arith.mulf %slice3A_254, %slice3A_254 : vector<1x1xf32>
      %mul3A_299 = vector.broadcast %mul3A_298 : vector<1x1xf32> to vector<1x1000xf32>
      %mul3A_300 = arith.mulf %mul3A_278, %mul3A_299 : vector<1x1000xf32>
      %sub3A_301 = arith.subf %sub3A_297, %mul3A_300 : vector<1x1000xf32>
      %swap3A_302 = arith.index_cast %scan3A_260 : i32 to index
      %swap3A_303 = arith.constant 0 : index
      %swap3A_304 = vector.load %arg6[%swap3A_302, %swap3A_303] : memref<100x1000xf32, #tpu.memory_space<vmem>>, vector<1x1000xf32>
      tpu.vector_store %arg6[%swap3A_302, %swap3A_303], %sub3A_301 {strides = array<i32>} : memref<100x1000xf32, #tpu.memory_space<vmem>>, vector<1x1000xf32>,
      %slice3A_305 = vector.extract_strided_slice %dot_general3A_269 {offsets = [2, 0], sizes = [1, 1000], strides = [1, 1]} : vector<3x1000xf32> to vector<1x1000xf32>
      %add3A_306 = arith.addf %get3A_287, %slice3A_305 : vector<1x1000xf32>
      %swap3A_307 = arith.index_cast %scan3A_260 : i32 to index
      %swap3A_308 = arith.constant 0 : index
      %swap3A_309 = vector.load %arg8[%swap3A_307, %swap3A_308] : memref<100x1000xf32, #tpu.memory_space<vmem>>, vector<1x1000xf32>
      tpu.vector_store %arg8[%swap3A_307, %swap3A_308], %add3A_306 {strides = array<i32>} : memref<100x1000xf32, #tpu.memory_space<vmem>>, vector<1x1000xf32>,
    }
    %scan3A_259 = arith.constant 100 : i32
    return
  }
}

module attributes {stable_mosaic.version = 14 : i64} {
  func.func @_edge_kernel(%arg0: i32, %arg1: memref<16x6400xf32, #tpu.memory_space<vmem>>, %arg2: memref<16x6400xf32, #tpu.memory_space<vmem>>, %arg3: memref<8x6400xf32, #tpu.memory_space<vmem>>) attributes {dimension_semantics = [#tpu.dimension_semantics<arbitrary>], iteration_bounds = array<i64: 250>, scalar_prefetch = 0 : i64, scratch_operands = 0 : i64, tpu.core_type = #tpu.core_type<tc>, window_params = [{transform_indices = @transform_0, window_bounds = array<i64: 16, 6400>}, {transform_indices = @transform_1, window_bounds = array<i64: 16, 6400>}, {transform_indices = @transform_2, window_bounds = array<i64: 8, 6400>}]} {
    %get3A = arith.constant 0 : index
    %get3A_0 = arith.constant 0 : index
    %get3A_1 = vector.load %arg1[%get3A, %get3A_0] : memref<16x6400xf32, #tpu.memory_space<vmem>>, vector<16x6400xf32>
    %get3A_2 = arith.constant 0 : index
    %get3A_3 = arith.constant 0 : index
    %get3A_4 = vector.load %arg2[%get3A_2, %get3A_3] : memref<16x6400xf32, #tpu.memory_space<vmem>>, vector<16x6400xf32>
    %slice3A = vector.extract_strided_slice %get3A_1 {offsets = [0, 0], sizes = [1, 6400], strides = [1, 1]} : vector<16x6400xf32> to vector<1x6400xf32>
    %slice3A_5 = vector.extract_strided_slice %get3A_4 {offsets = [0, 0], sizes = [1, 6400], strides = [1, 1]} : vector<16x6400xf32> to vector<1x6400xf32>
    %sub3A = arith.subf %slice3A, %slice3A_5 : vector<1x6400xf32>
    %slice3A_6 = vector.extract_strided_slice %get3A_1 {offsets = [1, 0], sizes = [3, 6400], strides = [1, 1]} : vector<16x6400xf32> to vector<3x6400xf32>
    %slice3A_7 = vector.extract_strided_slice %get3A_4 {offsets = [1, 0], sizes = [3, 6400], strides = [1, 1]} : vector<16x6400xf32> to vector<3x6400xf32>
    %sub3A_8 = arith.subf %slice3A_6, %slice3A_7 : vector<3x6400xf32>
    %mul3A = arith.mulf %sub3A_8, %sub3A_8 : vector<3x6400xf32>
    %reduce_sum3A = arith.constant dense<0.000000e+00> : vector<6400xf32>
    %reduce_sum3A_9 = vector.multi_reduction <add>, %mul3A, %reduce_sum3A [0] : vector<3x6400xf32> to vector<6400xf32>
    %broadcast_in_dim3A = vector.shape_cast %reduce_sum3A_9 : vector<6400xf32> to vector<1x6400xf32>
    %sqrt3A = math.sqrt %broadcast_in_dim3A : vector<1x6400xf32>
    %slice3A_10 = vector.extract_strided_slice %get3A_1 {offsets = [4, 0], sizes = [3, 6400], strides = [1, 1]} : vector<16x6400xf32> to vector<3x6400xf32>
    %slice3A_11 = vector.extract_strided_slice %get3A_4 {offsets = [4, 0], sizes = [3, 6400], strides = [1, 1]} : vector<16x6400xf32> to vector<3x6400xf32>
    %mul3A_12 = arith.mulf %slice3A_10, %slice3A_11 : vector<3x6400xf32>
    %reduce_sum3A_13 = arith.constant dense<0.000000e+00> : vector<6400xf32>
    %reduce_sum3A_14 = vector.multi_reduction <add>, %mul3A_12, %reduce_sum3A_13 [0] : vector<3x6400xf32> to vector<6400xf32>
    %broadcast_in_dim3A_15 = vector.shape_cast %reduce_sum3A_14 : vector<6400xf32> to vector<1x6400xf32>
    %slice3A_16 = vector.extract_strided_slice %get3A_1 {offsets = [7, 0], sizes = [1, 6400], strides = [1, 1]} : vector<16x6400xf32> to vector<1x6400xf32>
    %slice3A_17 = vector.extract_strided_slice %get3A_4 {offsets = [7, 0], sizes = [1, 6400], strides = [1, 1]} : vector<16x6400xf32> to vector<1x6400xf32>
    %sub3A_18 = arith.subf %slice3A_16, %slice3A_17 : vector<1x6400xf32>
    %slice3A_19 = vector.extract_strided_slice %get3A_1 {offsets = [8, 0], sizes = [1, 6400], strides = [1, 1]} : vector<16x6400xf32> to vector<1x6400xf32>
    %slice3A_20 = vector.extract_strided_slice %get3A_4 {offsets = [8, 0], sizes = [1, 6400], strides = [1, 1]} : vector<16x6400xf32> to vector<1x6400xf32>
    %sub3A_21 = arith.subf %slice3A_19, %slice3A_20 : vector<1x6400xf32>
    %sign3A = tpu.bitcast %sub3A_18 : vector<1x6400xf32> -> vector<1x6400xi32>
    %sign3A_22 = arith.constant -2147483648 : i32
    %sign3A_23 = vector.broadcast %sign3A_22 : i32 to vector<1x6400xi32>
    %sign3A_24 = arith.andi %sign3A, %sign3A_23 : vector<1x6400xi32>
    %sign3A_25 = arith.constant 1065353216 : i32
    %sign3A_26 = vector.broadcast %sign3A_25 : i32 to vector<1x6400xi32>
    %sign3A_27 = arith.ori %sign3A_26, %sign3A_24 : vector<1x6400xi32>
    %sign3A_28 = tpu.bitcast %sign3A_27 : vector<1x6400xi32> -> vector<1x6400xf32>
    %sign3A_29 = math.absf %sub3A_18 : vector<1x6400xf32>
    %sign3A_30 = arith.constant 0.000000e+00 : f32
    %sign3A_31 = vector.broadcast %sign3A_30 : f32 to vector<1x6400xf32>
    %sign3A_32 = arith.cmpf ogt, %sign3A_29, %sign3A_31 : vector<1x6400xf32>
    %sign3A_33 = arith.select %sign3A_32, %sign3A_28, %sub3A_18 : vector<1x6400xi1>, vector<1x6400xf32>
    %abs3A = math.absf %sub3A_18 : vector<1x6400xf32>
    %sign3A_34 = tpu.bitcast %sub3A_21 : vector<1x6400xf32> -> vector<1x6400xi32>
    %sign3A_35 = arith.constant -2147483648 : i32
    %sign3A_36 = vector.broadcast %sign3A_35 : i32 to vector<1x6400xi32>
    %sign3A_37 = arith.andi %sign3A_34, %sign3A_36 : vector<1x6400xi32>
    %sign3A_38 = arith.constant 1065353216 : i32
    %sign3A_39 = vector.broadcast %sign3A_38 : i32 to vector<1x6400xi32>
    %sign3A_40 = arith.ori %sign3A_39, %sign3A_37 : vector<1x6400xi32>
    %sign3A_41 = tpu.bitcast %sign3A_40 : vector<1x6400xi32> -> vector<1x6400xf32>
    %sign3A_42 = math.absf %sub3A_21 : vector<1x6400xf32>
    %sign3A_43 = arith.constant 0.000000e+00 : f32
    %sign3A_44 = vector.broadcast %sign3A_43 : f32 to vector<1x6400xf32>
    %sign3A_45 = arith.cmpf ogt, %sign3A_42, %sign3A_44 : vector<1x6400xf32>
    %sign3A_46 = arith.select %sign3A_45, %sign3A_41, %sub3A_21 : vector<1x6400xi1>, vector<1x6400xf32>
    %abs3A_47 = math.absf %sub3A_21 : vector<1x6400xf32>
    %broadcast_in_dim3A_48 = arith.constant 0.000000e+00 : f32
    %broadcast_in_dim3A_49 = vector.broadcast %broadcast_in_dim3A_48 : f32 to vector<1x6400xf32>
    %concatenate3A = tpu.concatenate %sub3A, %sqrt3A, %broadcast_in_dim3A_15, %sign3A_33, %abs3A, %sign3A_46, %abs3A_47, %broadcast_in_dim3A_49 in 0 : vector<1x6400xf32>, vector<1x6400xf32>, vector<1x6400xf32>, vector<1x6400xf32>, vector<1x6400xf32>, vector<1x6400xf32>, vector<1x6400xf32>, vector<1x6400xf32> -> vector<8x6400xf32>
    %swap3A = arith.constant 0 : index
    %swap3A_50 = arith.constant 0 : index
    %swap3A_51 = vector.load %arg3[%swap3A, %swap3A_50] : memref<8x6400xf32, #tpu.memory_space<vmem>>, vector<8x6400xf32>
    tpu.vector_store %arg3[%swap3A, %swap3A_50], %concatenate3A {strides = array<i32>} : memref<8x6400xf32, #tpu.memory_space<vmem>>, vector<8x6400xf32>,
    return
  }
  func.func @transform_0(%arg0: i32) -> (i32, i32) {
    %c0_i32 = arith.constant 0 : i32
    %c0_i32_0 = arith.constant 0 : i32
    return %c0_i32, %arg0 : i32, i32
  }
  func.func @transform_1(%arg0: i32) -> (i32, i32) {
    %c0_i32 = arith.constant 0 : i32
    %c0_i32_0 = arith.constant 0 : i32
    return %c0_i32, %arg0 : i32, i32
  }
  func.func @transform_2(%arg0: i32) -> (i32, i32) {
    %c0_i32 = arith.constant 0 : i32
    %c0_i32_0 = arith.constant 0 : i32
    return %c0_i32, %arg0 : i32, i32
  }
}

</mosaic_0001>

<sc_bundles>
// kernel: sparse-core-data-format-call.1.cloned.1.call-start
scs
called_computation.1_lowered:
.L_overlay_start_0:
0x0: {  	s1 =	sld [smem:$0x3FD9]  }
0x1: {  	s2 =	sld [smem:$0x3FFE];
	_ =	sdelay $0x1  }
0x2: {  	s3 =	srdreg.scid  }
0x3: {  	s0 =	sand.u32 $0x1, s3  }
0x4: {  	s17 =	sshll.u32 s0, $0xA;
	s1 =	sadd.s32 s2, s1  }
0x5: {  	s1 =	sadd.s32 s1, s17  }
0x6: {  	[smem:$0x3FC4] =	sst s1  }
0x7: {  	_ = 	snop  }
0x8: {  	(tm) =	ssettm $0x1  }
0x9: {  	s18 =	sld [smem:$0x3FFB];
	_ =	sdelay $0x3  }
0xa: {  	_ =	strace s18  }
0xb: {  	s1 =	sld [smem:$0x3FFC];
	_ =	sdelay $0x3  }
0xc: {  	_ =	strace s1  }
0xd: {  	s1 =	sld [smem:$0x3FFD];
	_ =	sdelay $0x3  }
0xe: {  	_ =	strace s1  }
0xf: {  	_ =	strace $0x8FFFFFFF  }
0x10: {  	s19 =	sld [smem:$0x3FDB];
	_ =	sdelay $0x1  }
0x11: {  	s20 =	simm.s32 $_scs_section_size  }
0x12: {  	s4 =	simm.s32 $_size__tile_overlayer_lowered;
	s5 =	simm.s32 $_tile_overlayer_lowered  }
0x13: {  	s23 =	simm.s32 $0x1BFF;
	s22 =	sshll.u32 s5, $0x1;
	s1 =	sadd.s32 s20, s19  }
0x14: {  	s6 =	simm.s32 $0x0;
	s21 =	sshll.u32 s4, $0x1;
	s4 =	sadd.s32 s22, s1  }
0x15: {  	[timem:s6], [sflag:s23] =	dma.local [hbm:s4], s21  }
0x16: {  	_ =	swait.ge [sflag:s23], s21  }
0x17: {  	s2 =	ssub.s32 $0x0, s21;
	[sflag:s23] =	ssyncset.done $0x0  }
0x18: {  	[sflag:s23] =	ssyncadd.s32 s2;
	_ =	sdelay $0x1  }
0x19: {  	s24 =	simm.s32 $0x1B8B  }
0x1a: {  	_ =	swait.ge [sflag:s24], $0x1  }
0x1b: {  	[sflag:s24] =	ssyncset.done $0x0  }
0x1c: {  	s26 =	simm.s32 $0x1B8E;
	s25 =	sld [smem:$0x3FFE];
	[sflag:s24] =	ssyncadd.s32 $0xFFFFFFFF  }
0x1d: {  	s27 =	simm.s32 $execute0_lowered;
	[smem:$0x3FD2] =	sst s26  }
0x1e: {  	s4 =	sshll.u32 s27, $0x1;
	_ =	strace $0x80000046;
	[dreg:$0x1] =	wrdreg $0xFFFFFFFF  }
0x1f: {  	s28 =	simm.s32 $_size_execute0_lowered;
	s1 =	sadd.s32 s1, s4;
	[dreg:$0x0] =	wrdreg $0x0  }
0x20: {  	s4 =	sshll.u32 s28, $0x1;
	[dreg:$0x2] =	wrdreg s1  }
0x21: {  	[dreg:$0x3] =	wrdreg s4  }
0x22: {  	[dreg:$0x4] =	wrdreg $0xC0  }
0x23: {  	_ =	task [dreg:s6], $0x5FFFF  }
0x24: {  	[dreg:$0x1] =	wrdreg $0xFFFFFFFF  }
0x25: {  	[dreg:$0x0] =	wrdreg $0x60  }
0x26: {  	[dreg:$0x2] =	wrdreg s25  }
0x27: {  	[dreg:$0x3] =	wrdreg $0xA  }
0x28: {  	_ =	task.clear_ibuf [dreg:s6], $0x4FFFF;
	_ =	strace $0x90000046  }
0x29: {  	s29 =	simm.s32 $0xA;
	_ =	strace $0x80000048  }
0x2a: {  	_ =	swait.ge [sflag:s29], $0x1  }
0x2b: {  	[sflag:s29] =	ssyncadd.s32 $0xFFFFFFFF  }
0x2c: {  	_ =	strace $0x90000048  }
0x2d: {  	_ =	sfence  }
0x2e: {  	s30 =	sld [smem:$0x0];
	_ =	sdelay $0x2  }
0x2f: {  	s31 =	sshll.u32 s3, $0xD;
	s3 =	sshrl.u32 s3, $0x2  }
0x30: {  	s2 =	sand.u32 $0x4000, s31;
	s1 =	sadd.s32 s3, s30  }
0x31: {  	s0 =	sor.u32 s2, s0;
	s1 =	sshll.u32 s1, $0x11  }
0x32: {  	s0 =	sor.u32 s1, s0  }
0x33: {  	s0 =	sadd.s32 $0x8F2B, s0  }
0x34: {  	[sflag:s0] =	ssyncadd.remote.s32 $0x1  }
0x35: {  	_ =	sfence.sel $0xFFFF  }
0x36: {  	[dreg:$0x0] =	wrdreg $0xFFFFFFFF;
	(pc) =	sbr.abs _section_cstart, $3  }
0x37: {  	[dreg:$0x1] =	wrdreg $0xFFFFFFFF  }
0x38: {  	_ =	task.clear_ibuf [dreg:s6], $0x2FFFF;
	_ =	strace $0x9FFFFFFF  }
0x39: {  	(tm) =	ssettm $0x7FFFFFFF  }
tec
execute0_lowered:
.L_overlay_start_1:
0x0: {  	(tag) =	ssettag $0x1  }
0x1: {  	s0 =	srdreg.scid  }
0x2: {  	s1 =	sshll.u32 s0, $0x4  }
0x3: {  	s4 =	rddreg [dreg:$0x0];
	s0 =	stileid.u32;
	s1 =	sand.u32 $0x10, s1  }
0x4: {  	s7 =	simm.s32 $0x1;
	s8 =	simm.s32 $0x2;
	s1 =	sor.u32 s0, s1  }
0x5: {  	s11 =	simm.s32 $0x0;
	s3 =	sadd.s32 $0xF400, s4;
	s2 =	sshll.u32 s1, $0x7  }
0x6: {  	s10 =	simm.s32 $0x0;
	s4 =	sadd.s32 $0x1879400, s4;
	s6 =	ssub.s32 $0x186A00, s2  }
.Ltmp0:
0x7: {  	s1 =	rddreg [dreg:$0x1];
	s5 =	sand.u32 $0xF80, s6;
	(pc) =	sbr.rel .LBB1_1-.Ltmp0, $4  }
0x8: {  	_ =	strace $0x80000047;
	s9 =	smov.u32 s2;
	p0 =	sne.s32 s5, $0x0  }
0x9: {  	s6 =	sshrl.u32 s6, $0xC;
	s5 =	simm.s32 $0x1;
	s7 =	simm.s32 @!p0 $0x0  }
0xa: {  	[sflag:s5] =	ssyncpa.u1 $0x0;
	p0 =	por $0x0, $0x0;
	s6 =	sadd.s32 s7, s6  }
0xb: {  	[sflag:s8] =	ssyncpa.u1 $0x0;
	s8 =	simm.s32 $0xC35000;
	s7 =	sadd.s32 $0x1, s6  }
.LBB1_4:
0xc: {  	s14 =	sshll.u32 s11, $0x3  }
0xd: {  	s14 =	sand.u32 $0xFFFFFC00, s14  }
0xe: {  	s15 =	sshrl.u32 s14, $0x9  }
0xf: {  	s15 =	smulhi.u32 $0xA7C5AD, s15;
	_ =	sdelay $0x1  }
0x10: {  	s15 =	sshrl.u32 s15, $0x3  }
0x11: {  	s28 =	sand.u32 $0x7F, s11;
	s16 =	smul.u32 $0x186A00, s15  }
0x12: {  	[tilespmem:s12+$0xFFFFFFFC ss:$0x81] =	vst.msk $0xffff, v0;
	s11 =	sor.u32 s28, s14  }
0x13: {  	[tilespmem:s12+$0xFFFFFFFD ss:$0x81] =	vst.msk $0xffff, v3;
	s29 =	sand.u32 $0xF, s15;
	s11 =	ssub.s32 s11, s16  }
0x14: {  	[tilespmem:s12+$0xFFFFFFFE ss:$0x81] =	vst.msk $0xffff, v1;
	s14 =	smul.u32 $0x30D40, s29;
	s30 =	sshrl.u32 s11, $0x3;
	s11 =	sand.u32 $0x7, s11  }
0x15: {  	[tilespmem:s12+$0xFFFFFFFF ss:$0x81] =	vst.msk $0xffff, v4;
	s15 =	sadd.s32 s4, s30;
	s11 =	sshll.u32 s11, $0x12  }
0x16: {  	[tilespmem:s12+$0xFFFFFFF9 ss:$0x81] =	vst.msk $0xffff, v2;
	s31 =	sadd.s32 s14, s15;
	s11 =	sor.u32 $0x400, s11  }
0x17: {  	[hbm4b:s31+s11] =	stream.strided.scatter [tilespmem:s13], [sflag:$0x2], $0x800, s8, s11, $0x20;
	[tilespmem:$0x2020] =	vst v63  }
.LBB1_5:
0x18: {  	s13 =	sadd.s32 $0x1000, s9  }
0x19: {  	p2 =	sgt.s32 s13, $0x1869FF  }
0x1a: {  	s13 =	smov.u32 @p2 s2;
	p2 =	sne.s32 s10, s7  }
.Ltmp1:
0x1b: {  	p1 =	slt.u32 s10, $0x2;
	(pc) =	sbr.rel @!p2 .LBB1_6-.Ltmp1, $4  }
0x1c: {  	s12 =	simm.s32 @!p1 $0x2  }
0x1d: {  	s14 =	sadd.s32 $0x1, s10;
	_ =	swait.ge @!p1 [sflag:s12], $0x800  }
0x1e: {  	s11 =	smov.u32 s9;
	p0 =	por !p0, !p0;
	[sflag:s12] =	ssyncset.done @!p1 $0x0  }
0x1f: {  	s10 =	smov.u32 s14;
	s9 =	smov.u32 s13;
	[sflag:s12] =	ssyncadd.s32 @!p1 $0xFFFFF800  }
.LBB1_1:
0x20: {  	p1 =	sge.u32 s10, s6  }
0x21: {  	s12 =	sand.u32 @!p1 $0x1FFFFFF, s9  }
0x22: {  	s13 =	smulhi.u32 @!p1 $0x14F8B59, s12;
	_ =	sdelay $0x1  }
0x23: {  	s13 =	sshrl.u32 @!p1 s13, $0xD  }
0x24: {  	s13 =	smul.u32 @!p1 $0x186A00, s13;
	_ =	sdelay $0x1  }
0x25: {  	s31 =	sadd.s32 $0xFFFFFFFF, s10;
	s14 =	sxor.u32 @!p1 $0xFFFFFFFF, s10;
	s12 =	ssub.s32 @!p1 s12, s13  }
0x26: {  	s15 =	simm.s32 @!p1 $0x80;
	s14 =	sshll.u32 @!p1 s14, $0xB;
	s12 =	sshll.u32 @!p1 s12, $0x4  }
0x27: {  	s13 =	sand.u32 @!p1 $0x800, s14;
	s14 =	simm.s32 @!p1 $0x10;
	s12 =	sadd.s32 @!p1 s3, s12  }
0x28: {  	[tilespmem:s13], [sflag:$0x1] =	stream.strided.gather @!p1 [hbm4b:s12+s14], $0x800, s15, s14, $0x38;
	[tilespmem:$0x2020] =	vst v63  }
0x29: {  	p1 =	sge.u32 s31, s6  }
.Ltmp2:
0x2a: {  	_ = 	snop;
	(pc) =	sbr.rel @p1 .LBB1_5-.Ltmp2, $1  }
0x2b: {  	_ =	sdelay $0x3  }
0x2c: {  	s12 =	simm.s32 $0x1  }
0x2d: {  	_ =	swait.ge [sflag:s5], $0x800;
	s12 =	simm.s32 @!p0 $0x0  }
0x2e: {  	[sflag:s5] =	ssyncset.done $0x0;
	s13 =	sshll.u32 s12, $0xB  }
0x2f: {  	[sflag:s5] =	ssyncadd.s32 $0xFFFFF800;
	s15 =	sor.u32 $0x40, s13  }
0x30: {  	v2 =	vld [tilespmem:s15+$0x30]  }
0x31: {  	s12 =	smul.u32 $0x2040, s12;
	v4 =	vld [tilespmem:s15+$0xFFFFFFD0]  }
0x32: {  	v5 =	vld [tilespmem:s15+$0xFFFFFFE0]  }
0x33: {  	s31 =	sand.u32 $0x1, s10;
	s12 =	sshrl.u32 s12, $0x2;
	v0 =	vld [tilespmem:s15+$0xFFFFFFF0]  }
0x34: {  	s13 =	smul.u32 $0x2040, s31;
	v3 =	vld [tilespmem:s15+$0x0];
	s12 =	sor.u32 $0x1007, s12  }
0x35: {  	v1 =	vld [tilespmem:s15+$0x10];
	[tilespmem:s12+$0x0 ss:$0x81] =	vst.msk $0xffff, v2  }
0x36: {  	s13 =	sshrl.u32 s13, $0x2;
	[tilespmem:s12+$0xFFFFFFFA ss:$0x81] =	vst.msk $0xffff, v4;
	v4 =	vld [tilespmem:s15+$0x20]  }
0x37: {  	s14 =	simm.s32 $0x0;
	s13 =	sor.u32 $0x1000, s13;
	v2 =	vld [tilespmem:s15+$0xFFFFFFC0];
	[tilespmem:s12+$0xFFFFFFFB ss:$0x81] =	vst.msk $0xffff, v5;
	s15 =	sadd.s32 $0x80, s15  }
.LBB1_3:
0x38: {  	v5 =	vld [tilespmem:s15+$0x30];
	s14 =	sadd.s32 $0x8, s14;
	[tilespmem:s12+$0xFFFFFFFC ss:$0x81] =	vst.msk $0xffff, v0  }
0x39: {  	v6 =	vld [tilespmem:s15+$0xFFFFFFD0];
	p1 =	slt.u32 s14, $0x78;
	[tilespmem:s12+$0xFFFFFFFD ss:$0x81] =	vst.msk $0xffff, v3  }
0x3a: {  	v7 =	vld [tilespmem:s15+$0xFFFFFFE0];
	[tilespmem:s12+$0xFFFFFFFE ss:$0x81] =	vst.msk $0xffff, v1  }
.Ltmp3:
0x3b: {  	v0 =	vld [tilespmem:s15+$0xFFFFFFF0];
	[tilespmem:s12+$0xFFFFFFFF ss:$0x81] =	vst.msk $0xffff, v4;
	(pc) =	sbr.rel @p1 .LBB1_3-.Ltmp3, $4  }
0x3c: {  	v3 =	vld [tilespmem:s15+$0x0];
	[tilespmem:s12+$0xFFFFFFF9 ss:$0x81] =	vst.msk $0xffff, v2;
	s12 =	sadd.s32 $0x8, s12  }
0x3d: {  	v1 =	vld [tilespmem:s15+$0x10];
	[tilespmem:s12+$0x0 ss:$0x81] =	vst.msk $0xffff, v5  }
0x3e: {  	[tilespmem:s12+$0xFFFFFFFA ss:$0x81] =	vst.msk $0xffff, v6;
	v4 =	vld [tilespmem:s15+$0x20]  }
0x3f: {  	v2 =	vld [tilespmem:s15+$0xFFFFFFC0];
	[tilespmem:s12+$0xFFFFFFFB ss:$0x81] =	vst.msk $0xffff, v7;
	s15 =	sadd.s32 $0x80, s15  }
.Ltmp4:
0x40: {  	_ = 	snop;
	(pc) =	sbr.rel .LBB1_4-.Ltmp4, $1  }
0x41: {  	_ =	sdelay $0x3  }
.LBB1_6:
0x42: {  	_ =	sfence.sel $0x180000  }
0x43: {  	s2 =	simm.s32 $0x1;
	[bflag:$0x0] =	sbarrier.arrive $0xFFFF  }
0x44: {  	s31 =	simm.s32 $0x2;
	[sflag:s2] =	ssyncpa.u1 $0x1  }
0x45: {  	[sflag:s31] =	ssyncpa.u1 $0x1  }
0x46: {  	p0 =	sne.s32 s0, $0x0;
	_ =	strace $0x90000047  }
0x47: {  	s0 =	sadd.s32 @!p0 $0x100000, s1;
	[bflag:$0x2] =	sbarrier.arrive $0xFFFF  }
0x48: {  	[sflag:s0] =	ssyncadd.tile.s32 @!p0 $0x1;
	_ =	shalt  }
.Lfunc_end1:
_tile_overlayer_lowered:
.L_overlay_start_2:
0x49: {  	(tag) =	ssettag $0x2  }
0x4a: {  	s0 =	rddreg [dreg:$0x0];
	s2 =	stileid.u32  }
0x4b: {  	s1 =	rddreg [dreg:$0x1];
	p0 =	sne.s32 s2, $0x0  }
0x4c: {  	s3 =	rddreg [dreg:$0x2];
	[bflag:$0x3] =	sbarrier.arrive $0xFFFF;
	s2 =	simm.s32 @!p0 $0x1C01  }
0x4d: {  	[timem:s3], [sflag:s2] =	dma.local @!p0 [hbm:s0], s1  }
0x4e: {  	s0 =	simm.s32 @!p0 $0x1  }
0x4f: {  	_ =	swait.ge @!p0 [sflag:s0], s1  }
0x50: {  	s1 =	ssub.s32 @!p0 $0x0, s1;
	[sflag:s0] =	ssyncset.done @!p0 $0x0  }
0x51: {  	[sflag:s0] =	ssyncadd.s32 @!p0 s1  }
0x52: {  	[bflag:$0x3] =	sbarrier.arrive $0xFFFF  }
0x53: {  	_ =	shalt  }

// kernel: sparse-core-data-format-call.cloned.1.call-start
scs
called_computation_lowered:
.L_overlay_start_0:
0x0: {  	s2 =	sld [smem:$0x3FD9]  }
0x1: {  	s3 =	sld [smem:$0x3FFE];
	_ =	sdelay $0x1  }
0x2: {  	s1 =	srdreg.scid  }
0x3: {  	s0 =	sand.u32 $0x1, s1  }
0x4: {  	s18 =	sshll.u32 s0, $0xA;
	s2 =	sadd.s32 s3, s2  }
0x5: {  	s2 =	sadd.s32 s2, s18  }
0x6: {  	[smem:$0x3FC4] =	sst s2  }
0x7: {  	_ = 	snop  }
0x8: {  	(tm) =	ssettm $0x1  }
0x9: {  	s19 =	sld [smem:$0x3FFB];
	_ =	sdelay $0x3  }
0xa: {  	_ =	strace s19  }
0xb: {  	s2 =	sld [smem:$0x3FFC];
	_ =	sdelay $0x3  }
0xc: {  	_ =	strace s2  }
0xd: {  	s2 =	sld [smem:$0x3FFD];
	_ =	sdelay $0x3  }
0xe: {  	_ =	strace s2  }
0xf: {  	_ =	strace $0x8FFFFFFF  }
0x10: {  	s20 =	sld [smem:$0x3FDB];
	_ =	sdelay $0x1  }
0x11: {  	s21 =	simm.s32 $_scs_section_size  }
0x12: {  	s4 =	simm.s32 $_size__tile_overlayer_lowered;
	s5 =	simm.s32 $_tile_overlayer_lowered  }
0x13: {  	s6 =	simm.s32 $0x1BFF;
	s22 =	sshll.u32 s5, $0x1;
	s3 =	sadd.s32 s21, s20  }
0x14: {  	s23 =	simm.s32 $0x0;
	s4 =	sshll.u32 s4, $0x1;
	s5 =	sadd.s32 s22, s3  }
0x15: {  	[timem:s23], [sflag:s6] =	dma.local [hbm:s5], s4  }
0x16: {  	_ =	swait.ge [sflag:s6], s4  }
0x17: {  	s4 =	ssub.s32 $0x0, s4;
	[sflag:s6] =	ssyncset.done $0x0  }
0x18: {  	[sflag:s6] =	ssyncadd.s32 s4;
	_ =	sdelay $0x1  }
0x19: {  	s24 =	simm.s32 $0x1B8B  }
0x1a: {  	_ =	swait.ge [sflag:s24], $0x1  }
0x1b: {  	[sflag:s24] =	ssyncset.done $0x0  }
0x1c: {  	[sflag:s24] =	ssyncadd.s32 $0xFFFFFFFF  }
0x1d: {  	s4 =	sld [smem:$0x0]  }
0x1e: {  	s5 =	sand.u32 $0xFFFFFFFE, s1  }
0x1f: {  	p0 =	sne.s32 s1, s5  }
0x20: {  	s5 =	sshll.u32 @p0 s5, $0xE  }
0x21: {  	s5 =	sadd.s32 @p0 $0x11B8D, s5;
	s6 =	sshll.u32 @p0 s4, $0x11  }
0x22: {  	s5 =	sor.u32 @p0 s6, s5  }
0x23: {  	[sflag:s5] =	ssyncadd.remote.s32 @p0 $0x1;
	_ =	sdelay $0x1  }
0x24: {  	s5 =	simm.s32 @p0 $0x1B8D  }
0x25: {  	_ =	swait.eq @p0 [sflag:s5], $0x1  }
0x26: {  	[sflag:s5] =	ssyncadd.s32 @p0 $0xFFFFFFFF  }
0x27: {  	s6 =	sshll.u32 @!p0 s1, $0xE  }
0x28: {  	s6 =	sor.u32 @!p0 $0x4000, s6;
	s5 =	simm.s32 @!p0 $0x1B8D  }
0x29: {  	s4 =	sshll.u32 @!p0 s4, $0x11;
	s6 =	sadd.s32 @!p0 $0x11B8D, s6;
	_ =	swait.eq @!p0 [sflag:s5], $0x1  }
0x2a: {  	s4 =	sor.u32 @!p0 s4, s6;
	[sflag:s5] =	ssyncadd.s32 @!p0 $0xFFFFFFFF  }
0x2b: {  	s26 =	simm.s32 $0x1B8E;
	s25 =	sld [smem:$0x3FFE];
	[sflag:s4] =	ssyncadd.remote.s32 @!p0 $0x1  }
0x2c: {  	s27 =	simm.s32 $execute0_lowered;
	[smem:$0x3FD2] =	sst s26  }
0x2d: {  	s5 =	sshll.u32 s27, $0x1;
	_ =	strace $0x80000049;
	[dreg:$0x1] =	wrdreg $0xFFFFFFFF  }
0x2e: {  	s28 =	simm.s32 $_size_execute0_lowered;
	s3 =	sadd.s32 s3, s5;
	[dreg:$0x0] =	wrdreg $0x0  }
0x2f: {  	s5 =	sshll.u32 s28, $0x1;
	[dreg:$0x2] =	wrdreg s3  }
0x30: {  	[dreg:$0x3] =	wrdreg s5  }
0x31: {  	[dreg:$0x4] =	wrdreg $0xC0  }
0x32: {  	_ =	task [dreg:s23], $0x5FFFF  }
0x33: {  	[dreg:$0x1] =	wrdreg $0xFFFFFFFF  }
0x34: {  	[dreg:$0x0] =	wrdreg $0x60  }
0x35: {  	[dreg:$0x2] =	wrdreg s25  }
0x36: {  	[dreg:$0x3] =	wrdreg $0x9  }
0x37: {  	_ =	task.clear_ibuf [dreg:s23], $0x4FFFF;
	_ =	strace $0x90000049  }
0x38: {  	s29 =	simm.s32 $0x9;
	_ =	strace $0x8000004B  }
0x39: {  	_ =	swait.ge [sflag:s29], $0x1  }
0x3a: {  	[sflag:s29] =	ssyncadd.s32 $0xFFFFFFFF  }
0x3b: {  	_ =	strace $0x9000004B  }
0x3c: {  	_ =	sfence  }
0x3d: {  	s30 =	sld [smem:$0x0];
	_ =	sdelay $0x2  }
0x3e: {  	s31 =	sshll.u32 s1, $0xD;
	s1 =	sshrl.u32 s1, $0x2  }
0x3f: {  	s4 =	sand.u32 $0x4000, s31;
	s1 =	sadd.s32 s1, s30  }
0x40: {  	s0 =	sor.u32 s4, s0;
	s1 =	sshll.u32 s1, $0x11  }
0x41: {  	s0 =	sor.u32 s1, s0  }
0x42: {  	s0 =	sadd.s32 $0x8F2B, s0  }
0x43: {  	[sflag:s0] =	ssyncadd.remote.s32 $0x1  }
0x44: {  	_ =	sfence.sel $0xFFFF  }
0x45: {  	[dreg:$0x0] =	wrdreg $0xFFFFFFFF;
	(pc) =	sbr.abs _section_cstart, $3  }
0x46: {  	[dreg:$0x1] =	wrdreg $0xFFFFFFFF  }
0x47: {  	_ =	task.clear_ibuf [dreg:s23], $0x2FFFF;
	_ =	strace $0x9FFFFFFF  }
0x48: {  	(tm) =	ssettm $0x7FFFFFFF  }
0x49: {  	_ =	shalt  }
tec
execute0_lowered:
.L_overlay_start_1:
0x0: {  	(tag) =	ssettag $0x1  }
0x1: {  	s0 =	srdreg.scid  }
0x2: {  	s1 =	sshll.u32 s0, $0x4  }
0x3: {  	s4 =	rddreg [dreg:$0x0];
	s0 =	stileid.u32;
	s1 =	sand.u32 $0x10, s1  }
0x4: {  	s7 =	simm.s32 $0x1;
	s8 =	simm.s32 $0x2;
	s2 =	sor.u32 s0, s1  }
0x5: {  	s11 =	simm.s32 $0x0;
	s3 =	sadd.s32 $0x1B86800, s4;
	s2 =	sshll.u32 s2, $0x7  }
0x6: {  	s10 =	simm.s32 $0x0;
	s4 =	sadd.s32 $0x33F0800, s4;
	s6 =	ssub.s32 $0x186A00, s2  }
.Ltmp0:
0x7: {  	s1 =	rddreg [dreg:$0x1];
	s5 =	sand.u32 $0xF80, s6;
	(pc) =	sbr.rel .LBB1_1-.Ltmp0, $4  }
0x8: {  	_ =	strace $0x8000004A;
	s9 =	smov.u32 s2;
	p0 =	sne.s32 s5, $0x0  }
0x9: {  	s6 =	sshrl.u32 s6, $0xC;
	s5 =	simm.s32 $0x1;
	s7 =	simm.s32 @!p0 $0x0  }
0xa: {  	[sflag:s5] =	ssyncpa.u1 $0x0;
	p0 =	por $0x0, $0x0;
	s6 =	sadd.s32 s7, s6  }
0xb: {  	[sflag:s8] =	ssyncpa.u1 $0x0;
	s8 =	simm.s32 $0xC35000;
	s7 =	sadd.s32 $0x1, s6  }
.LBB1_4:
0xc: {  	s14 =	sshll.u32 s11, $0x3  }
0xd: {  	s14 =	sand.u32 $0xFFFFFC00, s14  }
0xe: {  	s15 =	sshrl.u32 s14, $0x9  }
0xf: {  	s15 =	smulhi.u32 $0xA7C5AD, s15;
	_ =	sdelay $0x1  }
0x10: {  	s15 =	sshrl.u32 s15, $0x3  }
0x11: {  	s28 =	sand.u32 $0x7F, s11;
	s16 =	smul.u32 $0x186A00, s15  }
0x12: {  	[tilespmem:s12+$0xFFFFFFFC ss:$0x81] =	vst.msk $0xffff, v0;
	s11 =	sor.u32 s28, s14  }
0x13: {  	[tilespmem:s12+$0xFFFFFFFD ss:$0x81] =	vst.msk $0xffff, v3;
	s29 =	sand.u32 $0xF, s15;
	s11 =	ssub.s32 s11, s16  }
0x14: {  	[tilespmem:s12+$0xFFFFFFFE ss:$0x81] =	vst.msk $0xffff, v1;
	s14 =	smul.u32 $0x30D40, s29;
	s30 =	sshrl.u32 s11, $0x3;
	s11 =	sand.u32 $0x7, s11  }
0x15: {  	[tilespmem:s12+$0xFFFFFFFF ss:$0x81] =	vst.msk $0xffff, v4;
	s15 =	sadd.s32 s4, s30;
	s11 =	sshll.u32 s11, $0x12  }
0x16: {  	[tilespmem:s12+$0xFFFFFFF9 ss:$0x81] =	vst.msk $0xffff, v2;
	s31 =	sadd.s32 s14, s15;
	s11 =	sor.u32 $0x400, s11  }
0x17: {  	[hbm4b:s31+s11] =	stream.strided.scatter [tilespmem:s13], [sflag:$0x2], $0x800, s8, s11, $0x20;
	[tilespmem:$0x2020] =	vst v63  }
.LBB1_5:
0x18: {  	s13 =	sadd.s32 $0x1000, s9  }
0x19: {  	p2 =	sgt.s32 s13, $0x1869FF  }
0x1a: {  	s13 =	smov.u32 @p2 s2;
	p2 =	sne.s32 s10, s7  }
.Ltmp1:
0x1b: {  	p1 =	slt.u32 s10, $0x2;
	(pc) =	sbr.rel @!p2 .LBB1_6-.Ltmp1, $4  }
0x1c: {  	s12 =	simm.s32 @!p1 $0x2  }
0x1d: {  	s14 =	sadd.s32 $0x1, s10;
	_ =	swait.ge @!p1 [sflag:s12], $0x800  }
0x1e: {  	s11 =	smov.u32 s9;
	p0 =	por !p0, !p0;
	[sflag:s12] =	ssyncset.done @!p1 $0x0  }
0x1f: {  	s10 =	smov.u32 s14;
	s9 =	smov.u32 s13;
	[sflag:s12] =	ssyncadd.s32 @!p1 $0xFFFFF800  }
.LBB1_1:
0x20: {  	p1 =	sge.u32 s10, s6  }
0x21: {  	s12 =	sand.u32 @!p1 $0x1FFFFFF, s9  }
0x22: {  	s13 =	smulhi.u32 @!p1 $0x14F8B59, s12;
	_ =	sdelay $0x1  }
0x23: {  	s13 =	sshrl.u32 @!p1 s13, $0xD  }
0x24: {  	s13 =	smul.u32 @!p1 $0x186A00, s13;
	_ =	sdelay $0x1  }
0x25: {  	s31 =	sadd.s32 $0xFFFFFFFF, s10;
	s14 =	sxor.u32 @!p1 $0xFFFFFFFF, s10;
	s12 =	ssub.s32 @!p1 s12, s13  }
0x26: {  	s15 =	simm.s32 @!p1 $0x80;
	s14 =	sshll.u32 @!p1 s14, $0xB;
	s12 =	sshll.u32 @!p1 s12, $0x4  }
0x27: {  	s13 =	sand.u32 @!p1 $0x800, s14;
	s14 =	simm.s32 @!p1 $0x10;
	s12 =	sadd.s32 @!p1 s3, s12  }
0x28: {  	[tilespmem:s13], [sflag:$0x1] =	stream.strided.gather @!p1 [hbm4b:s12+s14], $0x800, s15, s14, $0x38;
	[tilespmem:$0x2020] =	vst v63  }
0x29: {  	p1 =	sge.u32 s31, s6  }
.Ltmp2:
0x2a: {  	_ = 	snop;
	(pc) =	sbr.rel @p1 .LBB1_5-.Ltmp2, $1  }
0x2b: {  	_ =	sdelay $0x3  }
0x2c: {  	s12 =	simm.s32 $0x1  }
0x2d: {  	_ =	swait.ge [sflag:s5], $0x800;
	s12 =	simm.s32 @!p0 $0x0  }
0x2e: {  	[sflag:s5] =	ssyncset.done $0x0;
	s13 =	sshll.u32 s12, $0xB  }
0x2f: {  	[sflag:s5] =	ssyncadd.s32 $0xFFFFF800;
	s15 =	sor.u32 $0x40, s13  }
0x30: {  	v2 =	vld [tilespmem:s15+$0x30]  }
0x31: {  	s12 =	smul.u32 $0x2040, s12;
	v4 =	vld [tilespmem:s15+$0xFFFFFFD0]  }
0x32: {  	v5 =	vld [tilespmem:s15+$0xFFFFFFE0]  }
0x33: {  	s31 =	sand.u32 $0x1, s10;
	s12 =	sshrl.u32 s12, $0x2;
	v0 =	vld [tilespmem:s15+$0xFFFFFFF0]  }
0x34: {  	s13 =	smul.u32 $0x2040, s31;
	v3 =	vld [tilespmem:s15+$0x0];
	s12 =	sor.u32 $0x1007, s12  }
0x35: {  	v1 =	vld [tilespmem:s15+$0x10];
	[tilespmem:s12+$0x0 ss:$0x81] =	vst.msk $0xffff, v2  }
0x36: {  	s13 =	sshrl.u32 s13, $0x2;
	[tilespmem:s12+$0xFFFFFFFA ss:$0x81] =	vst.msk $0xffff, v4;
	v4 =	vld [tilespmem:s15+$0x20]  }
0x37: {  	s14 =	simm.s32 $0x0;
	s13 =	sor.u32 $0x1000, s13;
	v2 =	vld [tilespmem:s15+$0xFFFFFFC0];
	[tilespmem:s12+$0xFFFFFFFB ss:$0x81] =	vst.msk $0xffff, v5;
	s15 =	sadd.s32 $0x80, s15  }
.LBB1_3:
0x38: {  	v5 =	vld [tilespmem:s15+$0x30];
	s14 =	sadd.s32 $0x8, s14;
	[tilespmem:s12+$0xFFFFFFFC ss:$0x81] =	vst.msk $0xffff, v0  }
0x39: {  	v6 =	vld [tilespmem:s15+$0xFFFFFFD0];
	p1 =	slt.u32 s14, $0x78;
	[tilespmem:s12+$0xFFFFFFFD ss:$0x81] =	vst.msk $0xffff, v3  }
0x3a: {  	v7 =	vld [tilespmem:s15+$0xFFFFFFE0];
	[tilespmem:s12+$0xFFFFFFFE ss:$0x81] =	vst.msk $0xffff, v1  }
.Ltmp3:
0x3b: {  	v0 =	vld [tilespmem:s15+$0xFFFFFFF0];
	[tilespmem:s12+$0xFFFFFFFF ss:$0x81] =	vst.msk $0xffff, v4;
	(pc) =	sbr.rel @p1 .LBB1_3-.Ltmp3, $4  }
0x3c: {  	v3 =	vld [tilespmem:s15+$0x0];
	[tilespmem:s12+$0xFFFFFFF9 ss:$0x81] =	vst.msk $0xffff, v2;
	s12 =	sadd.s32 $0x8, s12  }
0x3d: {  	v1 =	vld [tilespmem:s15+$0x10];
	[tilespmem:s12+$0x0 ss:$0x81] =	vst.msk $0xffff, v5  }
0x3e: {  	[tilespmem:s12+$0xFFFFFFFA ss:$0x81] =	vst.msk $0xffff, v6;
	v4 =	vld [tilespmem:s15+$0x20]  }
0x3f: {  	v2 =	vld [tilespmem:s15+$0xFFFFFFC0];
	[tilespmem:s12+$0xFFFFFFFB ss:$0x81] =	vst.msk $0xffff, v7;
	s15 =	sadd.s32 $0x80, s15  }
.Ltmp4:
0x40: {  	_ = 	snop;
	(pc) =	sbr.rel .LBB1_4-.Ltmp4, $1  }
0x41: {  	_ =	sdelay $0x3  }
.LBB1_6:
0x42: {  	_ =	sfence.sel $0x180000  }
0x43: {  	s2 =	simm.s32 $0x1;
	[bflag:$0x0] =	sbarrier.arrive $0xFFFF  }
0x44: {  	s31 =	simm.s32 $0x2;
	[sflag:s2] =	ssyncpa.u1 $0x1  }
0x45: {  	[sflag:s31] =	ssyncpa.u1 $0x1  }
0x46: {  	p0 =	sne.s32 s0, $0x0;
	_ =	strace $0x9000004A  }
0x47: {  	s0 =	sadd.s32 @!p0 $0x100000, s1;
	[bflag:$0x2] =	sbarrier.arrive $0xFFFF  }
0x48: {  	[sflag:s0] =	ssyncadd.tile.s32 @!p0 $0x1;
	_ =	shalt  }
.Lfunc_end1:
_tile_overlayer_lowered:
.L_overlay_start_2:
0x49: {  	(tag) =	ssettag $0x2  }
0x4a: {  	s0 =	rddreg [dreg:$0x0];
	s2 =	stileid.u32  }
0x4b: {  	s1 =	rddreg [dreg:$0x1];
	p0 =	sne.s32 s2, $0x0  }
0x4c: {  	s3 =	rddreg [dreg:$0x2];
	[bflag:$0x3] =	sbarrier.arrive $0xFFFF;
	s2 =	simm.s32 @!p0 $0x1C01  }
0x4d: {  	[timem:s3], [sflag:s2] =	dma.local @!p0 [hbm:s0], s1  }
0x4e: {  	s0 =	simm.s32 @!p0 $0x1  }
0x4f: {  	_ =	swait.ge @!p0 [sflag:s0], s1  }
0x50: {  	s1 =	ssub.s32 @!p0 $0x0, s1;
	[sflag:s0] =	ssyncset.done @!p0 $0x0  }
0x51: {  	[sflag:s0] =	ssyncadd.s32 @!p0 s1  }
0x52: {  	[bflag:$0x3] =	sbarrier.arrive $0xFFFF  }
0x53: {  	_ =	shalt  }

</sc_bundles>
